<compile_context>
chip_gen: v7x
topology: tpu7x:2x2x1
jax: 0.10.2.dev20260603
libtpu: 0.0.44.dev20260713+nightly
codegen_flags: <defaults>
</compile_context>

<pallas_src>
import functools

import jax
import jax.numpy as jnp
from jax import lax
from jax.experimental import pallas as pl
from jax.experimental.pallas import tpu as pltpu
from jax.experimental.pallas import tpu_sc as plsc

DIM = 128
B, S = 4, 8192
N_ROWS = B * S
CHUNK = 128
_info = plsc.get_sparse_core_info()
NC, NS = _info.num_cores, _info.num_subcores
NW = NC * NS
PER_W = N_ROWS // NW
W_PER_B = S // PER_W
N_CHUNKS = PER_W // CHUNK
N_JOBS = 2 * N_CHUNKS
DEPTH = 7
AHEAD = 4

_mesh = plsc.VectorSubcoreMesh(core_axis_name="c", subcore_axis_name="s")


@functools.partial(
    pl.kernel,
    mesh=_mesh,
    out_type=(
        jax.ShapeDtypeStruct((N_ROWS, DIM), jnp.float32),
        jax.ShapeDtypeStruct((N_ROWS, DIM), jnp.float32),
    ),
    scratch_types=(
        [pltpu.VMEM((PER_W,), jnp.int32),
         pltpu.VMEM((DEPTH, CHUNK, DIM), jnp.float32)]
        + [pltpu.SemaphoreType.DMA] * (2 * DEPTH + 1)
    ),
)
def _gather_kernel(cos_hbm, sin_hbm, idx_hbm, out_cos, out_sin,
                   idx_v, bufs, *sems):
    gsem = sems[:DEPTH]
    ssem = sems[DEPTH:2 * DEPTH]
    isem = sems[2 * DEPTH]
    wid = lax.axis_index("s") * NC + lax.axis_index("c")
    base = wid * PER_W
    batch = wid // W_PER_B
    soff = (wid % W_PER_B) * PER_W
    pltpu.sync_copy(idx_hbm.at[batch, pl.ds(soff, CHUNK)],
                    idx_v.at[pl.ds(0, CHUNK)])
    rest = pltpu.async_copy(
        idx_hbm.at[batch, pl.ds(soff + CHUNK, PER_W - CHUNK)],
        idx_v.at[pl.ds(CHUNK, PER_W - CHUNK)], isem)

    tables = (cos_hbm, sin_hbm)
    outs = (out_cos, out_sin)
    g_copies = [None] * DEPTH
    s_copies = [None] * DEPTH

    def issue_gather(k):
        sl = k % DEPTH
        chunk, tbl = k >> 1, k & 1
        g_copies[sl] = pltpu.async_copy(
            tables[tbl].at[idx_v.at[pl.ds(chunk * CHUNK, CHUNK)]],
            bufs.at[sl], gsem[sl])

    issue_gather(0)
    issue_gather(1)
    rest.wait()
    for k in range(2, AHEAD):
        issue_gather(k)
    for k in range(N_JOBS):
        sl = k % DEPTH
        if k + AHEAD < N_JOBS:
            nsl = (k + AHEAD) % DEPTH
            if s_copies[nsl] is not None:
                s_copies[nsl].wait()
                s_copies[nsl] = None
            issue_gather(k + AHEAD)
        g_copies[sl].wait()
        chunk, tbl = k >> 1, k & 1
        s_copies[sl] = pltpu.async_copy(
            bufs.at[sl], outs[tbl].at[pl.ds(base + chunk * CHUNK, CHUNK)],
            ssem[sl])
    for sl in range(DEPTH):
        if s_copies[sl] is not None:
            s_copies[sl].wait()


def kernel(x, position_ids, cos_cached, sin_cached):
    out_cos, out_sin = _gather_kernel(cos_cached, sin_cached,
                                      position_ids.astype(jnp.int32))
    shape = (*position_ids.shape, DIM)
    return (out_cos.reshape(shape).astype(x.dtype),
            out_sin.reshape(shape).astype(x.dtype))

# --- scband reference (transcript-rebuilt; emitter-appended) ---
"""Pipeline reference for scband-nano-rotary-embedding-cached-71811853189538 (READ-ONLY COPY).

The authoritative reference and input builder live on the scoring server;
editing this copy changes nothing except your own understanding.
"""

import jax, jax.numpy as jnp
import numpy as np

ROPE_THETA = 10000.0
DIM = 128
MAX_POS = 8192


def _build_cache():
    inv_freq = 1.0 / (ROPE_THETA ** (np.arange(0, DIM, 2, dtype=np.float32) / DIM))
    t = np.arange(MAX_POS, dtype=np.float32)
    freqs = np.outer(t, inv_freq)
    emb = np.concatenate([freqs, freqs], axis=-1)
    return jnp.asarray(np.cos(emb), dtype=jnp.float32), jnp.asarray(np.sin(emb), dtype=jnp.float32)


def setup_inputs(seed: int = 0) -> dict:
    key = jax.random.key(seed)
    k1, k2 = jax.random.split(key)
    x = jax.random.normal(k1, (4, 8192, 4096), dtype=jnp.float32)
    position_ids = jnp.sort(jax.random.randint(k2, (4, 8192), 0, MAX_POS, dtype=jnp.int64), axis=-1)
    cos_cached, sin_cached = _build_cache()
    return {"x": x, "position_ids": position_ids, "cos_cached": cos_cached, "sin_cached": sin_cached}


def reference(x, position_ids, cos_cached, sin_cached):
    # table lookup (gather) of precomputed cos/sin caches by position id
    cos = jnp.take(cos_cached, position_ids, axis=0).astype(x.dtype)
    sin = jnp.take(sin_cached, position_ids, axis=0).astype(x.dtype)
    return (cos, sin)

if __name__ == "__main__":
    import jax
    _d = setup_inputs()
    print(jax.jit(kernel)(*tuple(_d.values())))

</pallas_src>

<mosaic_0001>
#map = affine_map<(d0, d1) -> (0, 0)>
module attributes {stable_mosaic.version = 14 : i64} {
  func.func @_gather_kernel(%arg0: i32, %arg1: i32, %arg2: memref<8192x128xf32, #tpu.memory_space<hbm>>, %arg3: memref<8192x128xf32, #tpu.memory_space<hbm>>, %arg4: memref<4x8192xi32, #tpu.memory_space<hbm>>, %arg5: memref<32768x128xf32, #tpu.memory_space<hbm>>, %arg6: memref<32768x128xf32, #tpu.memory_space<hbm>>, %arg7: memref<1024xi32, #tpu.memory_space<vmem>>, %arg8: memref<7x128x128xf32, #tpu.memory_space<vmem>>, %arg9: memref<!tpu.dma_semaphore, #tpu.memory_space<semaphore_mem>>, %arg10: memref<!tpu.dma_semaphore, #tpu.memory_space<semaphore_mem>>, %arg11: memref<!tpu.dma_semaphore, #tpu.memory_space<semaphore_mem>>, %arg12: memref<!tpu.dma_semaphore, #tpu.memory_space<semaphore_mem>>, %arg13: memref<!tpu.dma_semaphore, #tpu.memory_space<semaphore_mem>>, %arg14: memref<!tpu.dma_semaphore, #tpu.memory_space<semaphore_mem>>, %arg15: memref<!tpu.dma_semaphore, #tpu.memory_space<semaphore_mem>>, %arg16: memref<!tpu.dma_semaphore, #tpu.memory_space<semaphore_mem>>, %arg17: memref<!tpu.dma_semaphore, #tpu.memory_space<semaphore_mem>>, %arg18: memref<!tpu.dma_semaphore, #tpu.memory_space<semaphore_mem>>, %arg19: memref<!tpu.dma_semaphore, #tpu.memory_space<semaphore_mem>>, %arg20: memref<!tpu.dma_semaphore, #tpu.memory_space<semaphore_mem>>, %arg21: memref<!tpu.dma_semaphore, #tpu.memory_space<semaphore_mem>>, %arg22: memref<!tpu.dma_semaphore, #tpu.memory_space<semaphore_mem>>, %arg23: memref<!tpu.dma_semaphore, #tpu.memory_space<semaphore_mem>>) attributes {dimension_semantics = [#tpu.dimension_semantics<core_parallel>, #tpu.dimension_semantics<subcore_parallel>], iteration_bounds = array<i64: 2, 16>, scalar_prefetch = 0 : i64, scratch_operands = 17 : i64, tpu.core_type = #tpu.core_type<sc_vector_subcore>, window_params = [{transform_indices = #map}, {transform_indices = #map}, {transform_indices = #map}, {transform_indices = #map}, {transform_indices = #map}]} {
    %mul3A = arith.constant 2 : i32
    %mul3A_0 = arith.muli %arg1, %mul3A : i32
    %add3A = arith.addi %mul3A_0, %arg0 : i32
    %mul3A_1 = arith.constant 1024 : i32
    %mul3A_2 = arith.muli %add3A, %mul3A_1 : i32
    %jit3A = arith.constant 8 : i32
    %div3A = arith.divsi %add3A, %jit3A : i32
    %sign3A = arith.constant 0 : i32
    %sign3A_3 = arith.cmpi sgt, %add3A, %sign3A : i32
    %sign3A_4 = arith.extui %sign3A_3 : i1 to i32
    %sign3A_5 = arith.constant 0 : i32
    %sign3A_6 = arith.cmpi slt, %add3A, %sign3A_5 : i32
    %sign3A_7 = arith.extui %sign3A_6 : i1 to i32
    %sign3A_8 = arith.subi %sign3A_4, %sign3A_7 : i32
    %sign3A_9 = arith.constant 0 : i32
    %sign3A_10 = arith.cmpi sgt, %jit3A, %sign3A_9 : i32
    %sign3A_11 = arith.extui %sign3A_10 : i1 to i32
    %sign3A_12 = arith.constant 0 : i32
    %sign3A_13 = arith.cmpi slt, %jit3A, %sign3A_12 : i32
    %sign3A_14 = arith.extui %sign3A_13 : i1 to i32
    %sign3A_15 = arith.subi %sign3A_11, %sign3A_14 : i32
    %ne3A = arith.cmpi ne, %sign3A_8, %sign3A_15 : i32
    %rem3A = arith.remsi %add3A, %jit3A : i32
    %ne3A_16 = arith.constant 0 : i32
    %ne3A_17 = arith.cmpi ne, %rem3A, %ne3A_16 : i32
    %and3A = arith.andi %ne3A, %ne3A_17 : i1
    %sub3A = arith.constant 1 : i32
    %sub3A_18 = arith.subi %div3A, %sub3A : i32
    %select_n3A = arith.select %and3A, %sub3A_18, %div3A : i32
    %jit3A_19 = arith.constant 8 : i32
    %eq3A = arith.constant 0 : i32
    %eq3A_20 = arith.cmpi eq, %jit3A_19, %eq3A : i32
    %jit3A_21 = arith.constant 1 : i32
    %select_n3A_22 = arith.select %eq3A_20, %jit3A_21, %jit3A_19 : i32
    %rem3A_23 = arith.remsi %add3A, %select_n3A_22 : i32
    %ne3A_24 = arith.constant 0 : i32
    %ne3A_25 = arith.cmpi ne, %rem3A_23, %ne3A_24 : i32
    %lt3A = arith.constant 0 : i32
    %lt3A_26 = arith.cmpi slt, %rem3A_23, %lt3A : i32
    %lt3A_27 = arith.constant 0 : i32
    %lt3A_28 = arith.cmpi slt, %select_n3A_22, %lt3A_27 : i32
    %ne3A_29 = arith.xori %lt3A_26, %lt3A_28 : i1
    %and3A_30 = arith.andi %ne3A_29, %ne3A_25 : i1
    %add3A_31 = arith.addi %rem3A_23, %select_n3A_22 : i32
    %select_n3A_32 = arith.select %and3A_30, %add3A_31, %rem3A_23 : i32
    %mul3A_33 = arith.constant 1024 : i32
    %mul3A_34 = arith.muli %select_n3A_32, %mul3A_33 : i32
    "tpu.region"() ({
      %run_scoped3A = tpu.sem_alloc : memref<!tpu.dma_semaphore, #tpu.memory_space<semaphore_mem>>
      %dma_start3A_819 = arith.constant 0 : i32
      %dma_start3A_820 = tpu.memref_slice %arg7[%dma_start3A_819] : memref<1024xi32, #tpu.memory_space<vmem>> -> memref<128xi32, #tpu.memory_space<vmem>>
      %dma_start3A_821 = tpu.memref_slice %arg4[%select_n3A, %mul3A_34] : memref<4x8192xi32, #tpu.memory_space<hbm>> -> memref<1x128xi32, #tpu.memory_space<hbm>>
      %dma_start3A_822 = tpu.memref_squeeze %dma_start3A_821 : memref<1x128xi32, #tpu.memory_space<hbm>> -> memref<128xi32, #tpu.memory_space<hbm>>
      %dma_start3A_823 = arith.constant 0 : i32
      %dma_start3A_824 = tpu.memref_slice %arg7[%dma_start3A_823] : memref<1024xi32, #tpu.memory_space<vmem>> -> memref<128xi32, #tpu.memory_space<vmem>>
      %dma_start3A_825 = tpu.memref_slice %arg4[%select_n3A, %mul3A_34] : memref<4x8192xi32, #tpu.memory_space<hbm>> -> memref<1x128xi32, #tpu.memory_space<hbm>>
      %dma_start3A_826 = tpu.memref_squeeze %dma_start3A_825 : memref<1x128xi32, #tpu.memory_space<hbm>> -> memref<128xi32, #tpu.memory_space<hbm>>
      tpu.enqueue_dma source(%dma_start3A_826 : memref<128xi32, #tpu.memory_space<hbm>>) target(%dma_start3A_824 : memref<128xi32, #tpu.memory_space<vmem>>) target_semaphore(%run_scoped3A : memref<!tpu.dma_semaphore, #tpu.memory_space<semaphore_mem>>)
      %dma_wait3A_827 = arith.constant 0 : i32
      %dma_wait3A_828 = tpu.memref_slice %arg7[%dma_wait3A_827] : memref<1024xi32, #tpu.memory_space<vmem>> -> memref<128xi32, #tpu.memory_space<vmem>>
      %dma_wait3A_829 = tpu.memref_slice %arg4[%select_n3A, %mul3A_34] : memref<4x8192xi32, #tpu.memory_space<hbm>> -> memref<1x128xi32, #tpu.memory_space<hbm>>
      %dma_wait3A_830 = tpu.memref_squeeze %dma_wait3A_829 : memref<1x128xi32, #tpu.memory_space<hbm>> -> memref<128xi32, #tpu.memory_space<hbm>>
      %dma_wait3A_831 = arith.constant 0 : i32
      %dma_wait3A_832 = tpu.memref_slice %arg7[%dma_wait3A_831] : memref<1024xi32, #tpu.memory_space<vmem>> -> memref<128xi32, #tpu.memory_space<vmem>>
      %dma_wait3A_833 = tpu.memref_slice %arg4[%select_n3A, %mul3A_34] : memref<4x8192xi32, #tpu.memory_space<hbm>> -> memref<1x128xi32, #tpu.memory_space<hbm>>
      %dma_wait3A_834 = tpu.memref_squeeze %dma_wait3A_833 : memref<1x128xi32, #tpu.memory_space<hbm>> -> memref<128xi32, #tpu.memory_space<hbm>>
      tpu.wait_dma2 semaphore(%run_scoped3A : memref<!tpu.dma_semaphore, #tpu.memory_space<semaphore_mem>>) src(%dma_wait3A_834 : memref<128xi32, #tpu.memory_space<hbm>>) dst(%dma_wait3A_832 : memref<128xi32, #tpu.memory_space<vmem>>)
      tpu.yield
    }) : () -> ()
    %add3A_35 = arith.constant 128 : i32
    %add3A_36 = arith.addi %mul3A_34, %add3A_35 : i32
    %dma_start3A = arith.constant 128 : i32
    %dma_start3A_37 = tpu.memref_slice %arg7[%dma_start3A] : memref<1024xi32, #tpu.memory_space<vmem>> -> memref<896xi32, #tpu.memory_space<vmem>>
    %dma_start3A_38 = tpu.memref_slice %arg4[%select_n3A, %add3A_36] : memref<4x8192xi32, #tpu.memory_space<hbm>> -> memref<1x896xi32, #tpu.memory_space<hbm>>
    %dma_start3A_39 = tpu.memref_squeeze %dma_start3A_38 : memref<1x896xi32, #tpu.memory_space<hbm>> -> memref<896xi32, #tpu.memory_space<hbm>>
    %dma_start3A_40 = arith.constant 128 : i32
    %dma_start3A_41 = tpu.memref_slice %arg7[%dma_start3A_40] : memref<1024xi32, #tpu.memory_space<vmem>> -> memref<896xi32, #tpu.memory_space<vmem>>
    %dma_start3A_42 = tpu.memref_slice %arg4[%select_n3A, %add3A_36] : memref<4x8192xi32, #tpu.memory_space<hbm>> -> memref<1x896xi32, #tpu.memory_space<hbm>>
    %dma_start3A_43 = tpu.memref_squeeze %dma_start3A_42 : memref<1x896xi32, #tpu.memory_space<hbm>> -> memref<896xi32, #tpu.memory_space<hbm>>
    tpu.enqueue_dma source(%dma_start3A_43 : memref<896xi32, #tpu.memory_space<hbm>>) target(%dma_start3A_41 : memref<896xi32, #tpu.memory_space<vmem>>) target_semaphore(%arg23 : memref<!tpu.dma_semaphore, #tpu.memory_space<semaphore_mem>>)
    %dma_start3A_44 = arith.constant 0 : i32
    %dma_start3A_45 = arith.constant 0 : i32
    %dma_start3A_46 = arith.constant 0 : i32
    %dma_start3A_47 = tpu.memref_slice %arg8[%dma_start3A_44, %dma_start3A_45, %dma_start3A_46] : memref<7x128x128xf32, #tpu.memory_space<vmem>> -> memref<1x128x128xf32, #tpu.memory_space<vmem>>
    %dma_start3A_48 = tpu.memref_squeeze %dma_start3A_47 : memref<1x128x128xf32, #tpu.memory_space<vmem>> -> memref<128x128xf32, #tpu.memory_space<vmem>>
    %dma_start3A_49 = arith.constant 0 : i32
    %dma_start3A_50 = tpu.memref_slice %arg7[%dma_start3A_49] : memref<1024xi32, #tpu.memory_space<vmem>> -> memref<128xi32, #tpu.memory_space<vmem>>
    %dma_start3A_51 = arith.constant 0 : i32
    %dma_start3A_52 = arith.constant 0 : i32
    %dma_start3A_53 = tpu.memref_slice %arg2[%dma_start3A_51, %dma_start3A_52] : memref<8192x128xf32, #tpu.memory_space<hbm>> -> memref<8192x128xf32, #tpu.memory_space<hbm>>
    tpu.enqueue_indirect_dma source(%dma_start3A_53 : memref<8192x128xf32, #tpu.memory_space<hbm>>) target(%dma_start3A_48 : memref<128x128xf32, #tpu.memory_space<vmem>>) offsets(%dma_start3A_50 : memref<128xi32, #tpu.memory_space<vmem>>) semaphore(%arg9 : memref<!tpu.dma_semaphore, #tpu.memory_space<semaphore_mem>>)
    %dma_start3A_54 = arith.constant 1 : i32
    %dma_start3A_55 = arith.constant 0 : i32
    %dma_start3A_56 = arith.constant 0 : i32
    %dma_start3A_57 = tpu.memref_slice %arg8[%dma_start3A_54, %dma_start3A_55, %dma_start3A_56] : memref<7x128x128xf32, #tpu.memory_space<vmem>> -> memref<1x128x128xf32, #tpu.memory_space<vmem>>
    %dma_start3A_58 = tpu.memref_squeeze %dma_start3A_57 : memref<1x128x128xf32, #tpu.memory_space<vmem>> -> memref<128x128xf32, #tpu.memory_space<vmem>>
    %dma_start3A_59 = arith.constant 0 : i32
    %dma_start3A_60 = tpu.memref_slice %arg7[%dma_start3A_59] : memref<1024xi32, #tpu.memory_space<vmem>> -> memref<128xi32, #tpu.memory_space<vmem>>
    %dma_start3A_61 = arith.constant 0 : i32
    %dma_start3A_62 = arith.constant 0 : i32
    %dma_start3A_63 = tpu.memref_slice %arg3[%dma_start3A_61, %dma_start3A_62] : memref<8192x128xf32, #tpu.memory_space<hbm>> -> memref<8192x128xf32, #tpu.memory_space<hbm>>
    tpu.enqueue_indirect_dma source(%dma_start3A_63 : memref<8192x128xf32, #tpu.memory_space<hbm>>) target(%dma_start3A_58 : memref<128x128xf32, #tpu.memory_space<vmem>>) offsets(%dma_start3A_60 : memref<128xi32, #tpu.memory_space<vmem>>) semaphore(%arg10 : memref<!tpu.dma_semaphore, #tpu.memory_space<semaphore_mem>>)
    %dma_wait3A = arith.constant 128 : i32
    %dma_wait3A_64 = tpu.memref_slice %arg7[%dma_wait3A] : memref<1024xi32, #tpu.memory_space<vmem>> -> memref<896xi32, #tpu.memory_space<vmem>>
    %dma_wait3A_65 = tpu.memref_slice %arg4[%select_n3A, %add3A_36] : memref<4x8192xi32, #tpu.memory_space<hbm>> -> memref<1x896xi32, #tpu.memory_space<hbm>>
    %dma_wait3A_66 = tpu.memref_squeeze %dma_wait3A_65 : memref<1x896xi32, #tpu.memory_space<hbm>> -> memref<896xi32, #tpu.memory_space<hbm>>
    %dma_wait3A_67 = arith.constant 128 : i32
    %dma_wait3A_68 = tpu.memref_slice %arg7[%dma_wait3A_67] : memref<1024xi32, #tpu.memory_space<vmem>> -> memref<896xi32, #tpu.memory_space<vmem>>
    %dma_wait3A_69 = tpu.memref_slice %arg4[%select_n3A, %add3A_36] : memref<4x8192xi32, #tpu.memory_space<hbm>> -> memref<1x896xi32, #tpu.memory_space<hbm>>
    %dma_wait3A_70 = tpu.memref_squeeze %dma_wait3A_69 : memref<1x896xi32, #tpu.memory_space<hbm>> -> memref<896xi32, #tpu.memory_space<hbm>>
    tpu.wait_dma2 semaphore(%arg23 : memref<!tpu.dma_semaphore, #tpu.memory_space<semaphore_mem>>) src(%dma_wait3A_70 : memref<896xi32, #tpu.memory_space<hbm>>) dst(%dma_wait3A_68 : memref<896xi32, #tpu.memory_space<vmem>>)
    %dma_start3A_71 = arith.constant 2 : i32
    %dma_start3A_72 = arith.constant 0 : i32
    %dma_start3A_73 = arith.constant 0 : i32
    %dma_start3A_74 = tpu.memref_slice %arg8[%dma_start3A_71, %dma_start3A_72, %dma_start3A_73] : memref<7x128x128xf32, #tpu.memory_space<vmem>> -> memref<1x128x128xf32, #tpu.memory_space<vmem>>
    %dma_start3A_75 = tpu.memref_squeeze %dma_start3A_74 : memref<1x128x128xf32, #tpu.memory_space<vmem>> -> memref<128x128xf32, #tpu.memory_space<vmem>>
    %dma_start3A_76 = arith.constant 128 : i32
    %dma_start3A_77 = tpu.memref_slice %arg7[%dma_start3A_76] : memref<1024xi32, #tpu.memory_space<vmem>> -> memref<128xi32, #tpu.memory_space<vmem>>
    %dma_start3A_78 = arith.constant 0 : i32
    %dma_start3A_79 = arith.constant 0 : i32
    %dma_start3A_80 = tpu.memref_slice %arg2[%dma_start3A_78, %dma_start3A_79] : memref<8192x128xf32, #tpu.memory_space<hbm>> -> memref<8192x128xf32, #tpu.memory_space<hbm>>
    tpu.enqueue_indirect_dma source(%dma_start3A_80 : memref<8192x128xf32, #tpu.memory_space<hbm>>) target(%dma_start3A_75 : memref<128x128xf32, #tpu.memory_space<vmem>>) offsets(%dma_start3A_77 : memref<128xi32, #tpu.memory_space<vmem>>) semaphore(%arg11 : memref<!tpu.dma_semaphore, #tpu.memory_space<semaphore_mem>>)
    %dma_start3A_81 = arith.constant 3 : i32
    %dma_start3A_82 = arith.constant 0 : i32
    %dma_start3A_83 = arith.constant 0 : i32
    %dma_start3A_84 = tpu.memref_slice %arg8[%dma_start3A_81, %dma_start3A_82, %dma_start3A_83] : memref<7x128x128xf32, #tpu.memory_space<vmem>> -> memref<1x128x128xf32, #tpu.memory_space<vmem>>
    %dma_start3A_85 = tpu.memref_squeeze %dma_start3A_84 : memref<1x128x128xf32, #tpu.memory_space<vmem>> -> memref<128x128xf32, #tpu.memory_space<vmem>>
    %dma_start3A_86 = arith.constant 128 : i32
    %dma_start3A_87 = tpu.memref_slice %arg7[%dma_start3A_86] : memref<1024xi32, #tpu.memory_space<vmem>> -> memref<128xi32, #tpu.memory_space<vmem>>
    %dma_start3A_88 = arith.constant 0 : i32
    %dma_start3A_89 = arith.constant 0 : i32
    %dma_start3A_90 = tpu.memref_slice %arg3[%dma_start3A_88, %dma_start3A_89] : memref<8192x128xf32, #tpu.memory_space<hbm>> -> memref<8192x128xf32, #tpu.memory_space<hbm>>
    tpu.enqueue_indirect_dma source(%dma_start3A_90 : memref<8192x128xf32, #tpu.memory_space<hbm>>) target(%dma_start3A_85 : memref<128x128xf32, #tpu.memory_space<vmem>>) offsets(%dma_start3A_87 : memref<128xi32, #tpu.memory_space<vmem>>) semaphore(%arg12 : memref<!tpu.dma_semaphore, #tpu.memory_space<semaphore_mem>>)
    %dma_start3A_91 = arith.constant 4 : i32
    %dma_start3A_92 = arith.constant 0 : i32
    %dma_start3A_93 = arith.constant 0 : i32
    %dma_start3A_94 = tpu.memref_slice %arg8[%dma_start3A_91, %dma_start3A_92, %dma_start3A_93] : memref<7x128x128xf32, #tpu.memory_space<vmem>> -> memref<1x128x128xf32, #tpu.memory_space<vmem>>
    %dma_start3A_95 = tpu.memref_squeeze %dma_start3A_94 : memref<1x128x128xf32, #tpu.memory_space<vmem>> -> memref<128x128xf32, #tpu.memory_space<vmem>>
    %dma_start3A_96 = arith.constant 256 : i32
    %dma_start3A_97 = tpu.memref_slice %arg7[%dma_start3A_96] : memref<1024xi32, #tpu.memory_space<vmem>> -> memref<128xi32, #tpu.memory_space<vmem>>
    %dma_start3A_98 = arith.constant 0 : i32
    %dma_start3A_99 = arith.constant 0 : i32
    %dma_start3A_100 = tpu.memref_slice %arg2[%dma_start3A_98, %dma_start3A_99] : memref<8192x128xf32, #tpu.memory_space<hbm>> -> memref<8192x128xf32, #tpu.memory_space<hbm>>
    tpu.enqueue_indirect_dma source(%dma_start3A_100 : memref<8192x128xf32, #tpu.memory_space<hbm>>) target(%dma_start3A_95 : memref<128x128xf32, #tpu.memory_space<vmem>>) offsets(%dma_start3A_97 : memref<128xi32, #tpu.memory_space<vmem>>) semaphore(%arg13 : memref<!tpu.dma_semaphore, #tpu.memory_space<semaphore_mem>>)
    %dma_wait3A_101 = arith.constant 0 : i32
    %dma_wait3A_102 = arith.constant 0 : i32
    %dma_wait3A_103 = arith.constant 0 : i32
    %dma_wait3A_104 = tpu.memref_slice %arg8[%dma_wait3A_101, %dma_wait3A_102, %dma_wait3A_103] : memref<7x128x128xf32, #tpu.memory_space<vmem>> -> memref<1x128x128xf32, #tpu.memory_space<vmem>>
    %dma_wait3A_105 = tpu.memref_squeeze %dma_wait3A_104 : memref<1x128x128xf32, #tpu.memory_space<vmem>> -> memref<128x128xf32, #tpu.memory_space<vmem>>
    %dma_wait3A_106 = arith.constant 0 : i32
    %dma_wait3A_107 = tpu.memref_slice %arg7[%dma_wait3A_106] : memref<1024xi32, #tpu.memory_space<vmem>> -> memref<128xi32, #tpu.memory_space<vmem>>
    %dma_wait3A_108 = arith.constant 0 : i32
    %dma_wait3A_109 = arith.constant 0 : i32
    %dma_wait3A_110 = tpu.memref_slice %arg2[%dma_wait3A_108, %dma_wait3A_109] : memref<8192x128xf32, #tpu.memory_space<hbm>> -> memref<8192x128xf32, #tpu.memory_space<hbm>>
    tpu.wait_indirect_dma semaphore(%arg9 : memref<!tpu.dma_semaphore, #tpu.memory_space<semaphore_mem>>) src(%dma_wait3A_110 : memref<8192x128xf32, #tpu.memory_space<hbm>>) dst(%dma_wait3A_105 : memref<128x128xf32, #tpu.memory_space<vmem>>)
    %add3A_111 = arith.constant 0 : i32
    %add3A_112 = arith.addi %mul3A_2, %add3A_111 : i32
    %dma_start3A_113 = arith.constant 0 : i32
    %dma_start3A_114 = arith.constant 0 : i32
    %dma_start3A_115 = arith.constant 0 : i32
    %dma_start3A_116 = tpu.memref_slice %arg8[%dma_start3A_113, %dma_start3A_114, %dma_start3A_115] : memref<7x128x128xf32, #tpu.memory_space<vmem>> -> memref<1x128x128xf32, #tpu.memory_space<vmem>>
    %dma_start3A_117 = tpu.memref_squeeze %dma_start3A_116 : memref<1x128x128xf32, #tpu.memory_space<vmem>> -> memref<128x128xf32, #tpu.memory_space<vmem>>
    %dma_start3A_118 = arith.constant 0 : i32
    %dma_start3A_119 = tpu.memref_slice %arg5[%add3A_112, %dma_start3A_118] : memref<32768x128xf32, #tpu.memory_space<hbm>> -> memref<128x128xf32, #tpu.memory_space<hbm>>
    %dma_start3A_120 = arith.constant 0 : i32
    %dma_start3A_121 = tpu.memref_slice %arg5[%add3A_112, %dma_start3A_120] : memref<32768x128xf32, #tpu.memory_space<hbm>> -> memref<128x128xf32, #tpu.memory_space<hbm>>
    %dma_start3A_122 = arith.constant 0 : i32
    %dma_start3A_123 = arith.constant 0 : i32
    %dma_start3A_124 = tpu.memref_slice %arg8[%dma_start3A_113, %dma_start3A_122, %dma_start3A_123] : memref<7x128x128xf32, #tpu.memory_space<vmem>> -> memref<1x128x128xf32, #tpu.memory_space<vmem>>
    %dma_start3A_125 = tpu.memref_squeeze %dma_start3A_124 : memref<1x128x128xf32, #tpu.memory_space<vmem>> -> memref<128x128xf32, #tpu.memory_space<vmem>>
    tpu.enqueue_dma source(%dma_start3A_125 : memref<128x128xf32, #tpu.memory_space<vmem>>) target(%dma_start3A_121 : memref<128x128xf32, #tpu.memory_space<hbm>>) target_semaphore(%arg16 : memref<!tpu.dma_semaphore, #tpu.memory_space<semaphore_mem>>)
    %dma_start3A_126 = arith.constant 5 : i32
    %dma_start3A_127 = arith.constant 0 : i32
    %dma_start3A_128 = arith.constant 0 : i32
    %dma_start3A_129 = tpu.memref_slice %arg8[%dma_start3A_126, %dma_start3A_127, %dma_start3A_128] : memref<7x128x128xf32, #tpu.memory_space<vmem>> -> memref<1x128x128xf32, #tpu.memory_space<vmem>>
    %dma_start3A_130 = tpu.memref_squeeze %dma_start3A_129 : memref<1x128x128xf32, #tpu.memory_space<vmem>> -> memref<128x128xf32, #tpu.memory_space<vmem>>
    %dma_start3A_131 = arith.constant 256 : i32
    %dma_start3A_132 = tpu.memref_slice %arg7[%dma_start3A_131] : memref<1024xi32, #tpu.memory_space<vmem>> -> memref<128xi32, #tpu.memory_space<vmem>>
    %dma_start3A_133 = arith.constant 0 : i32
    %dma_start3A_134 = arith.constant 0 : i32
    %dma_start3A_135 = tpu.memref_slice %arg3[%dma_start3A_133, %dma_start3A_134] : memref<8192x128xf32, #tpu.memory_space<hbm>> -> memref<8192x128xf32, #tpu.memory_space<hbm>>
    tpu.enqueue_indirect_dma source(%dma_start3A_135 : memref<8192x128xf32, #tpu.memory_space<hbm>>) target(%dma_start3A_130 : memref<128x128xf32, #tpu.memory_space<vmem>>) offsets(%dma_start3A_132 : memref<128xi32, #tpu.memory_space<vmem>>) semaphore(%arg14 : memref<!tpu.dma_semaphore, #tpu.memory_space<semaphore_mem>>)
    %dma_wait3A_136 = arith.constant 1 : i32
    %dma_wait3A_137 = arith.constant 0 : i32
    %dma_wait3A_138 = arith.constant 0 : i32
    %dma_wait3A_139 = tpu.memref_slice %arg8[%dma_wait3A_136, %dma_wait3A_137, %dma_wait3A_138] : memref<7x128x128xf32, #tpu.memory_space<vmem>> -> memref<1x128x128xf32, #tpu.memory_space<vmem>>
    %dma_wait3A_140 = tpu.memref_squeeze %dma_wait3A_139 : memref<1x128x128xf32, #tpu.memory_space<vmem>> -> memref<128x128xf32, #tpu.memory_space<vmem>>
    %dma_wait3A_141 = arith.constant 0 : i32
    %dma_wait3A_142 = tpu.memref_slice %arg7[%dma_wait3A_141] : memref<1024xi32, #tpu.memory_space<vmem>> -> memref<128xi32, #tpu.memory_space<vmem>>
    %dma_wait3A_143 = arith.constant 0 : i32
    %dma_wait3A_144 = arith.constant 0 : i32
    %dma_wait3A_145 = tpu.memref_slice %arg3[%dma_wait3A_143, %dma_wait3A_144] : memref<8192x128xf32, #tpu.memory_space<hbm>> -> memref<8192x128xf32, #tpu.memory_space<hbm>>
    tpu.wait_indirect_dma semaphore(%arg10 : memref<!tpu.dma_semaphore, #tpu.memory_space<semaphore_mem>>) src(%dma_wait3A_145 : memref<8192x128xf32, #tpu.memory_space<hbm>>) dst(%dma_wait3A_140 : memref<128x128xf32, #tpu.memory_space<vmem>>)
    %add3A_146 = arith.constant 0 : i32
    %add3A_147 = arith.addi %mul3A_2, %add3A_146 : i32
    %dma_start3A_148 = arith.constant 1 : i32
    %dma_start3A_149 = arith.constant 0 : i32
    %dma_start3A_150 = arith.constant 0 : i32
    %dma_start3A_151 = tpu.memref_slice %arg8[%dma_start3A_148, %dma_start3A_149, %dma_start3A_150] : memref<7x128x128xf32, #tpu.memory_space<vmem>> -> memref<1x128x128xf32, #tpu.memory_space<vmem>>
    %dma_start3A_152 = tpu.memref_squeeze %dma_start3A_151 : memref<1x128x128xf32, #tpu.memory_space<vmem>> -> memref<128x128xf32, #tpu.memory_space<vmem>>
    %dma_start3A_153 = arith.constant 0 : i32
    %dma_start3A_154 = tpu.memref_slice %arg6[%add3A_147, %dma_start3A_153] : memref<32768x128xf32, #tpu.memory_space<hbm>> -> memref<128x128xf32, #tpu.memory_space<hbm>>
    %dma_start3A_155 = arith.constant 0 : i32
    %dma_start3A_156 = tpu.memref_slice %arg6[%add3A_147, %dma_start3A_155] : memref<32768x128xf32, #tpu.memory_space<hbm>> -> memref<128x128xf32, #tpu.memory_space<hbm>>
    %dma_start3A_157 = arith.constant 0 : i32
    %dma_start3A_158 = arith.constant 0 : i32
    %dma_start3A_159 = tpu.memref_slice %arg8[%dma_start3A_148, %dma_start3A_157, %dma_start3A_158] : memref<7x128x128xf32, #tpu.memory_space<vmem>> -> memref<1x128x128xf32, #tpu.memory_space<vmem>>
    %dma_start3A_160 = tpu.memref_squeeze %dma_start3A_159 : memref<1x128x128xf32, #tpu.memory_space<vmem>> -> memref<128x128xf32, #tpu.memory_space<vmem>>
    tpu.enqueue_dma source(%dma_start3A_160 : memref<128x128xf32, #tpu.memory_space<vmem>>) target(%dma_start3A_156 : memref<128x128xf32, #tpu.memory_space<hbm>>) target_semaphore(%arg17 : memref<!tpu.dma_semaphore, #tpu.memory_space<semaphore_mem>>)
    %dma_start3A_161 = arith.constant 6 : i32
    %dma_start3A_162 = arith.constant 0 : i32
    %dma_start3A_163 = arith.constant 0 : i32
    %dma_start3A_164 = tpu.memref_slice %arg8[%dma_start3A_161, %dma_start3A_162, %dma_start3A_163] : memref<7x128x128xf32, #tpu.memory_space<vmem>> -> memref<1x128x128xf32, #tpu.memory_space<vmem>>
    %dma_start3A_165 = tpu.memref_squeeze %dma_start3A_164 : memref<1x128x128xf32, #tpu.memory_space<vmem>> -> memref<128x128xf32, #tpu.memory_space<vmem>>
    %dma_start3A_166 = arith.constant 384 : i32
    %dma_start3A_167 = tpu.memref_slice %arg7[%dma_start3A_166] : memref<1024xi32, #tpu.memory_space<vmem>> -> memref<128xi32, #tpu.memory_space<vmem>>
    %dma_start3A_168 = arith.constant 0 : i32
    %dma_start3A_169 = arith.constant 0 : i32
    %dma_start3A_170 = tpu.memref_slice %arg2[%dma_start3A_168, %dma_start3A_169] : memref<8192x128xf32, #tpu.memory_space<hbm>> -> memref<8192x128xf32, #tpu.memory_space<hbm>>
    tpu.enqueue_indirect_dma source(%dma_start3A_170 : memref<8192x128xf32, #tpu.memory_space<hbm>>) target(%dma_start3A_165 : memref<128x128xf32, #tpu.memory_space<vmem>>) offsets(%dma_start3A_167 : memref<128xi32, #tpu.memory_space<vmem>>) semaphore(%arg15 : memref<!tpu.dma_semaphore, #tpu.memory_space<semaphore_mem>>)
    %dma_wait3A_171 = arith.constant 2 : i32
    %dma_wait3A_172 = arith.constant 0 : i32
    %dma_wait3A_173 = arith.constant 0 : i32
    %dma_wait3A_174 = tpu.memref_slice %arg8[%dma_wait3A_171, %dma_wait3A_172, %dma_wait3A_173] : memref<7x128x128xf32, #tpu.memory_space<vmem>> -> memref<1x128x128xf32, #tpu.memory_space<vmem>>
    %dma_wait3A_175 = tpu.memref_squeeze %dma_wait3A_174 : memref<1x128x128xf32, #tpu.memory_space<vmem>> -> memref<128x128xf32, #tpu.memory_space<vmem>>
    %dma_wait3A_176 = arith.constant 128 : i32
    %dma_wait3A_177 = tpu.memref_slice %arg7[%dma_wait3A_176] : memref<1024xi32, #tpu.memory_space<vmem>> -> memref<128xi32, #tpu.memory_space<vmem>>
    %dma_wait3A_178 = arith.constant 0 : i32
    %dma_wait3A_179 = arith.constant 0 : i32
    %dma_wait3A_180 = tpu.memref_slice %arg2[%dma_wait3A_178, %dma_wait3A_179] : memref<8192x128xf32, #tpu.memory_space<hbm>> -> memref<8192x128xf32, #tpu.memory_space<hbm>>
    tpu.wait_indirect_dma semaphore(%arg11 : memref<!tpu.dma_semaphore, #tpu.memory_space<semaphore_mem>>) src(%dma_wait3A_180 : memref<8192x128xf32, #tpu.memory_space<hbm>>) dst(%dma_wait3A_175 : memref<128x128xf32, #tpu.memory_space<vmem>>)
    %add3A_181 = arith.constant 128 : i32
    %add3A_182 = arith.addi %mul3A_2, %add3A_181 : i32
    %dma_start3A_183 = arith.constant 2 : i32
    %dma_start3A_184 = arith.constant 0 : i32
    %dma_start3A_185 = arith.constant 0 : i32
    %dma_start3A_186 = tpu.memref_slice %arg8[%dma_start3A_183, %dma_start3A_184, %dma_start3A_185] : memref<7x128x128xf32, #tpu.memory_space<vmem>> -> memref<1x128x128xf32, #tpu.memory_space<vmem>>
    %dma_start3A_187 = tpu.memref_squeeze %dma_start3A_186 : memref<1x128x128xf32, #tpu.memory_space<vmem>> -> memref<128x128xf32, #tpu.memory_space<vmem>>
    %dma_start3A_188 = arith.constant 0 : i32
    %dma_start3A_189 = tpu.memref_slice %arg5[%add3A_182, %dma_start3A_188] : memref<32768x128xf32, #tpu.memory_space<hbm>> -> memref<128x128xf32, #tpu.memory_space<hbm>>
    %dma_start3A_190 = arith.constant 0 : i32
    %dma_start3A_191 = tpu.memref_slice %arg5[%add3A_182, %dma_start3A_190] : memref<32768x128xf32, #tpu.memory_space<hbm>> -> memref<128x128xf32, #tpu.memory_space<hbm>>
    %dma_start3A_192 = arith.constant 0 : i32
    %dma_start3A_193 = arith.constant 0 : i32
    %dma_start3A_194 = tpu.memref_slice %arg8[%dma_start3A_183, %dma_start3A_192, %dma_start3A_193] : memref<7x128x128xf32, #tpu.memory_space<vmem>> -> memref<1x128x128xf32, #tpu.memory_space<vmem>>
    %dma_start3A_195 = tpu.memref_squeeze %dma_start3A_194 : memref<1x128x128xf32, #tpu.memory_space<vmem>> -> memref<128x128xf32, #tpu.memory_space<vmem>>
    tpu.enqueue_dma source(%dma_start3A_195 : memref<128x128xf32, #tpu.memory_space<vmem>>) target(%dma_start3A_191 : memref<128x128xf32, #tpu.memory_space<hbm>>) target_semaphore(%arg18 : memref<!tpu.dma_semaphore, #tpu.memory_space<semaphore_mem>>)
    %dma_wait3A_196 = arith.constant 0 : i32
    %dma_wait3A_197 = arith.constant 0 : i32
    %dma_wait3A_198 = arith.constant 0 : i32
    %dma_wait3A_199 = tpu.memref_slice %arg8[%dma_wait3A_196, %dma_wait3A_197, %dma_wait3A_198] : memref<7x128x128xf32, #tpu.memory_space<vmem>> -> memref<1x128x128xf32, #tpu.memory_space<vmem>>
    %dma_wait3A_200 = tpu.memref_squeeze %dma_wait3A_199 : memref<1x128x128xf32, #tpu.memory_space<vmem>> -> memref<128x128xf32, #tpu.memory_space<vmem>>
    %dma_wait3A_201 = arith.constant 0 : i32
    %dma_wait3A_202 = tpu.memref_slice %arg5[%add3A_112, %dma_wait3A_201] : memref<32768x128xf32, #tpu.memory_space<hbm>> -> memref<128x128xf32, #tpu.memory_space<hbm>>
    %dma_wait3A_203 = arith.constant 0 : i32
    %dma_wait3A_204 = tpu.memref_slice %arg5[%add3A_112, %dma_wait3A_203] : memref<32768x128xf32, #tpu.memory_space<hbm>> -> memref<128x128xf32, #tpu.memory_space<hbm>>
    %dma_wait3A_205 = arith.constant 0 : i32
    %dma_wait3A_206 = arith.constant 0 : i32
    %dma_wait3A_207 = tpu.memref_slice %arg8[%dma_wait3A_196, %dma_wait3A_205, %dma_wait3A_206] : memref<7x128x128xf32, #tpu.memory_space<vmem>> -> memref<1x128x128xf32, #tpu.memory_space<vmem>>
    %dma_wait3A_208 = tpu.memref_squeeze %dma_wait3A_207 : memref<1x128x128xf32, #tpu.memory_space<vmem>> -> memref<128x128xf32, #tpu.memory_space<vmem>>
    tpu.wait_dma2 semaphore(%arg16 : memref<!tpu.dma_semaphore, #tpu.memory_space<semaphore_mem>>) src(%dma_wait3A_208 : memref<128x128xf32, #tpu.memory_space<vmem>>) dst(%dma_wait3A_204 : memref<128x128xf32, #tpu.memory_space<hbm>>)
    %dma_start3A_209 = arith.constant 0 : i32
    %dma_start3A_210 = arith.constant 0 : i32
    %dma_start3A_211 = arith.constant 0 : i32
    %dma_start3A_212 = tpu.memref_slice %arg8[%dma_start3A_209, %dma_start3A_210, %dma_start3A_211] : memref<7x128x128xf32, #tpu.memory_space<vmem>> -> memref<1x128x128xf32, #tpu.memory_space<vmem>>
    %dma_start3A_213 = tpu.memref_squeeze %dma_start3A_212 : memref<1x128x128xf32, #tpu.memory_space<vmem>> -> memref<128x128xf32, #tpu.memory_space<vmem>>
    %dma_start3A_214 = arith.constant 384 : i32
    %dma_start3A_215 = tpu.memref_slice %arg7[%dma_start3A_214] : memref<1024xi32, #tpu.memory_space<vmem>> -> memref<128xi32, #tpu.memory_space<vmem>>
    %dma_start3A_216 = arith.constant 0 : i32
    %dma_start3A_217 = arith.constant 0 : i32
    %dma_start3A_218 = tpu.memref_slice %arg3[%dma_start3A_216, %dma_start3A_217] : memref<8192x128xf32, #tpu.memory_space<hbm>> -> memref<8192x128xf32, #tpu.memory_space<hbm>>
    tpu.enqueue_indirect_dma source(%dma_start3A_218 : memref<8192x128xf32, #tpu.memory_space<hbm>>) target(%dma_start3A_213 : memref<128x128xf32, #tpu.memory_space<vmem>>) offsets(%dma_start3A_215 : memref<128xi32, #tpu.memory_space<vmem>>) semaphore(%arg9 : memref<!tpu.dma_semaphore, #tpu.memory_space<semaphore_mem>>)
    %dma_wait3A_219 = arith.constant 3 : i32
    %dma_wait3A_220 = arith.constant 0 : i32
    %dma_wait3A_221 = arith.constant 0 : i32
    %dma_wait3A_222 = tpu.memref_slice %arg8[%dma_wait3A_219, %dma_wait3A_220, %dma_wait3A_221] : memref<7x128x128xf32, #tpu.memory_space<vmem>> -> memref<1x128x128xf32, #tpu.memory_space<vmem>>
    %dma_wait3A_223 = tpu.memref_squeeze %dma_wait3A_222 : memref<1x128x128xf32, #tpu.memory_space<vmem>> -> memref<128x128xf32, #tpu.memory_space<vmem>>
    %dma_wait3A_224 = arith.constant 128 : i32
    %dma_wait3A_225 = tpu.memref_slice %arg7[%dma_wait3A_224] : memref<1024xi32, #tpu.memory_space<vmem>> -> memref<128xi32, #tpu.memory_space<vmem>>
    %dma_wait3A_226 = arith.constant 0 : i32
    %dma_wait3A_227 = arith.constant 0 : i32
    %dma_wait3A_228 = tpu.memref_slice %arg3[%dma_wait3A_226, %dma_wait3A_227] : memref<8192x128xf32, #tpu.memory_space<hbm>> -> memref<8192x128xf32, #tpu.memory_space<hbm>>
    tpu.wait_indirect_dma semaphore(%arg12 : memref<!tpu.dma_semaphore, #tpu.memory_space<semaphore_mem>>) src(%dma_wait3A_228 : memref<8192x128xf32, #tpu.memory_space<hbm>>) dst(%dma_wait3A_223 : memref<128x128xf32, #tpu.memory_space<vmem>>)
    %add3A_229 = arith.constant 128 : i32
    %add3A_230 = arith.addi %mul3A_2, %add3A_229 : i32
    %dma_start3A_231 = arith.constant 3 : i32
    %dma_start3A_232 = arith.constant 0 : i32
    %dma_start3A_233 = arith.constant 0 : i32
    %dma_start3A_234 = tpu.memref_slice %arg8[%dma_start3A_231, %dma_start3A_232, %dma_start3A_233] : memref<7x128x128xf32, #tpu.memory_space<vmem>> -> memref<1x128x128xf32, #tpu.memory_space<vmem>>
    %dma_start3A_235 = tpu.memref_squeeze %dma_start3A_234 : memref<1x128x128xf32, #tpu.memory_space<vmem>> -> memref<128x128xf32, #tpu.memory_space<vmem>>
    %dma_start3A_236 = arith.constant 0 : i32
    %dma_start3A_237 = tpu.memref_slice %arg6[%add3A_230, %dma_start3A_236] : memref<32768x128xf32, #tpu.memory_space<hbm>> -> memref<128x128xf32, #tpu.memory_space<hbm>>
    %dma_start3A_238 = arith.constant 0 : i32
    %dma_start3A_239 = tpu.memref_slice %arg6[%add3A_230, %dma_start3A_238] : memref<32768x128xf32, #tpu.memory_space<hbm>> -> memref<128x128xf32, #tpu.memory_space<hbm>>
    %dma_start3A_240 = arith.constant 0 : i32
    %dma_start3A_241 = arith.constant 0 : i32
    %dma_start3A_242 = tpu.memref_slice %arg8[%dma_start3A_231, %dma_start3A_240, %dma_start3A_241] : memref<7x128x128xf32, #tpu.memory_space<vmem>> -> memref<1x128x128xf32, #tpu.memory_space<vmem>>
    %dma_start3A_243 = tpu.memref_squeeze %dma_start3A_242 : memref<1x128x128xf32, #tpu.memory_space<vmem>> -> memref<128x128xf32, #tpu.memory_space<vmem>>
    tpu.enqueue_dma source(%dma_start3A_243 : memref<128x128xf32, #tpu.memory_space<vmem>>) target(%dma_start3A_239 : memref<128x128xf32, #tpu.memory_space<hbm>>) target_semaphore(%arg19 : memref<!tpu.dma_semaphore, #tpu.memory_space<semaphore_mem>>)
    %dma_wait3A_244 = arith.constant 1 : i32
    %dma_wait3A_245 = arith.constant 0 : i32
    %dma_wait3A_246 = arith.constant 0 : i32
    %dma_wait3A_247 = tpu.memref_slice %arg8[%dma_wait3A_244, %dma_wait3A_245, %dma_wait3A_246] : memref<7x128x128xf32, #tpu.memory_space<vmem>> -> memref<1x128x128xf32, #tpu.memory_space<vmem>>
    %dma_wait3A_248 = tpu.memref_squeeze %dma_wait3A_247 : memref<1x128x128xf32, #tpu.memory_space<vmem>> -> memref<128x128xf32, #tpu.memory_space<vmem>>
    %dma_wait3A_249 = arith.constant 0 : i32
    %dma_wait3A_250 = tpu.memref_slice %arg6[%add3A_147, %dma_wait3A_249] : memref<32768x128xf32, #tpu.memory_space<hbm>> -> memref<128x128xf32, #tpu.memory_space<hbm>>
    %dma_wait3A_251 = arith.constant 0 : i32
    %dma_wait3A_252 = tpu.memref_slice %arg6[%add3A_147, %dma_wait3A_251] : memref<32768x128xf32, #tpu.memory_space<hbm>> -> memref<128x128xf32, #tpu.memory_space<hbm>>
    %dma_wait3A_253 = arith.constant 0 : i32
    %dma_wait3A_254 = arith.constant 0 : i32
    %dma_wait3A_255 = tpu.memref_slice %arg8[%dma_wait3A_244, %dma_wait3A_253, %dma_wait3A_254] : memref<7x128x128xf32, #tpu.memory_space<vmem>> -> memref<1x128x128xf32, #tpu.memory_space<vmem>>
    %dma_wait3A_256 = tpu.memref_squeeze %dma_wait3A_255 : memref<1x128x128xf32, #tpu.memory_space<vmem>> -> memref<128x128xf32, #tpu.memory_space<vmem>>
    tpu.wait_dma2 semaphore(%arg17 : memref<!tpu.dma_semaphore, #tpu.memory_space<semaphore_mem>>) src(%dma_wait3A_256 : memref<128x128xf32, #tpu.memory_space<vmem>>) dst(%dma_wait3A_252 : memref<128x128xf32, #tpu.memory_space<hbm>>)
    %dma_start3A_257 = arith.constant 1 : i32
    %dma_start3A_258 = arith.constant 0 : i32
    %dma_start3A_259 = arith.constant 0 : i32
    %dma_start3A_260 = tpu.memref_slice %arg8[%dma_start3A_257, %dma_start3A_258, %dma_start3A_259] : memref<7x128x128xf32, #tpu.memory_space<vmem>> -> memref<1x128x128xf32, #tpu.memory_space<vmem>>
    %dma_start3A_261 = tpu.memref_squeeze %dma_start3A_260 : memref<1x128x128xf32, #tpu.memory_space<vmem>> -> memref<128x128xf32, #tpu.memory_space<vmem>>
    %dma_start3A_262 = arith.constant 512 : i32
    %dma_start3A_263 = tpu.memref_slice %arg7[%dma_start3A_262] : memref<1024xi32, #tpu.memory_space<vmem>> -> memref<128xi32, #tpu.memory_space<vmem>>
    %dma_start3A_264 = arith.constant 0 : i32
    %dma_start3A_265 = arith.constant 0 : i32
    %dma_start3A_266 = tpu.memref_slice %arg2[%dma_start3A_264, %dma_start3A_265] : memref<8192x128xf32, #tpu.memory_space<hbm>> -> memref<8192x128xf32, #tpu.memory_space<hbm>>
    tpu.enqueue_indirect_dma source(%dma_start3A_266 : memref<8192x128xf32, #tpu.memory_space<hbm>>) target(%dma_start3A_261 : memref<128x128xf32, #tpu.memory_space<vmem>>) offsets(%dma_start3A_263 : memref<128xi32, #tpu.memory_space<vmem>>) semaphore(%arg10 : memref<!tpu.dma_semaphore, #tpu.memory_space<semaphore_mem>>)
    %dma_wait3A_267 = arith.constant 4 : i32
    %dma_wait3A_268 = arith.constant 0 : i32
    %dma_wait3A_269 = arith.constant 0 : i32
    %dma_wait3A_270 = tpu.memref_slice %arg8[%dma_wait3A_267, %dma_wait3A_268, %dma_wait3A_269] : memref<7x128x128xf32, #tpu.memory_space<vmem>> -> memref<1x128x128xf32, #tpu.memory_space<vmem>>
    %dma_wait3A_271 = tpu.memref_squeeze %dma_wait3A_270 : memref<1x128x128xf32, #tpu.memory_space<vmem>> -> memref<128x128xf32, #tpu.memory_space<vmem>>
    %dma_wait3A_272 = arith.constant 256 : i32
    %dma_wait3A_273 = tpu.memref_slice %arg7[%dma_wait3A_272] : memref<1024xi32, #tpu.memory_space<vmem>> -> memref<128xi32, #tpu.memory_space<vmem>>
    %dma_wait3A_274 = arith.constant 0 : i32
    %dma_wait3A_275 = arith.constant 0 : i32
    %dma_wait3A_276 = tpu.memref_slice %arg2[%dma_wait3A_274, %dma_wait3A_275] : memref<8192x128xf32, #tpu.memory_space<hbm>> -> memref<8192x128xf32, #tpu.memory_space<hbm>>
    tpu.wait_indirect_dma semaphore(%arg13 : memref<!tpu.dma_semaphore, #tpu.memory_space<semaphore_mem>>) src(%dma_wait3A_276 : memref<8192x128xf32, #tpu.memory_space<hbm>>) dst(%dma_wait3A_271 : memref<128x128xf32, #tpu.memory_space<vmem>>)
    %add3A_277 = arith.constant 256 : i32
    %add3A_278 = arith.addi %mul3A_2, %add3A_277 : i32
    %dma_start3A_279 = arith.constant 4 : i32
    %dma_start3A_280 = arith.constant 0 : i32
    %dma_start3A_281 = arith.constant 0 : i32
    %dma_start3A_282 = tpu.memref_slice %arg8[%dma_start3A_279, %dma_start3A_280, %dma_start3A_281] : memref<7x128x128xf32, #tpu.memory_space<vmem>> -> memref<1x128x128xf32, #tpu.memory_space<vmem>>
    %dma_start3A_283 = tpu.memref_squeeze %dma_start3A_282 : memref<1x128x128xf32, #tpu.memory_space<vmem>> -> memref<128x128xf32, #tpu.memory_space<vmem>>
    %dma_start3A_284 = arith.constant 0 : i32
    %dma_start3A_285 = tpu.memref_slice %arg5[%add3A_278, %dma_start3A_284] : memref<32768x128xf32, #tpu.memory_space<hbm>> -> memref<128x128xf32, #tpu.memory_space<hbm>>
    %dma_start3A_286 = arith.constant 0 : i32
    %dma_start3A_287 = tpu.memref_slice %arg5[%add3A_278, %dma_start3A_286] : memref<32768x128xf32, #tpu.memory_space<hbm>> -> memref<128x128xf32, #tpu.memory_space<hbm>>
    %dma_start3A_288 = arith.constant 0 : i32
    %dma_start3A_289 = arith.constant 0 : i32
    %dma_start3A_290 = tpu.memref_slice %arg8[%dma_start3A_279, %dma_start3A_288, %dma_start3A_289] : memref<7x128x128xf32, #tpu.memory_space<vmem>> -> memref<1x128x128xf32, #tpu.memory_space<vmem>>
    %dma_start3A_291 = tpu.memref_squeeze %dma_start3A_290 : memref<1x128x128xf32, #tpu.memory_space<vmem>> -> memref<128x128xf32, #tpu.memory_space<vmem>>
    tpu.enqueue_dma source(%dma_start3A_291 : memref<128x128xf32, #tpu.memory_space<vmem>>) target(%dma_start3A_287 : memref<128x128xf32, #tpu.memory_space<hbm>>) target_semaphore(%arg20 : memref<!tpu.dma_semaphore, #tpu.memory_space<semaphore_mem>>)
    %dma_wait3A_292 = arith.constant 2 : i32
    %dma_wait3A_293 = arith.constant 0 : i32
    %dma_wait3A_294 = arith.constant 0 : i32
    %dma_wait3A_295 = tpu.memref_slice %arg8[%dma_wait3A_292, %dma_wait3A_293, %dma_wait3A_294] : memref<7x128x128xf32, #tpu.memory_space<vmem>> -> memref<1x128x128xf32, #tpu.memory_space<vmem>>
    %dma_wait3A_296 = tpu.memref_squeeze %dma_wait3A_295 : memref<1x128x128xf32, #tpu.memory_space<vmem>> -> memref<128x128xf32, #tpu.memory_space<vmem>>
    %dma_wait3A_297 = arith.constant 0 : i32
    %dma_wait3A_298 = tpu.memref_slice %arg5[%add3A_182, %dma_wait3A_297] : memref<32768x128xf32, #tpu.memory_space<hbm>> -> memref<128x128xf32, #tpu.memory_space<hbm>>
    %dma_wait3A_299 = arith.constant 0 : i32
    %dma_wait3A_300 = tpu.memref_slice %arg5[%add3A_182, %dma_wait3A_299] : memref<32768x128xf32, #tpu.memory_space<hbm>> -> memref<128x128xf32, #tpu.memory_space<hbm>>
    %dma_wait3A_301 = arith.constant 0 : i32
    %dma_wait3A_302 = arith.constant 0 : i32
    %dma_wait3A_303 = tpu.memref_slice %arg8[%dma_wait3A_292, %dma_wait3A_301, %dma_wait3A_302] : memref<7x128x128xf32, #tpu.memory_space<vmem>> -> memref<1x128x128xf32, #tpu.memory_space<vmem>>
    %dma_wait3A_304 = tpu.memref_squeeze %dma_wait3A_303 : memref<1x128x128xf32, #tpu.memory_space<vmem>> -> memref<128x128xf32, #tpu.memory_space<vmem>>
    tpu.wait_dma2 semaphore(%arg18 : memref<!tpu.dma_semaphore, #tpu.memory_space<semaphore_mem>>) src(%dma_wait3A_304 : memref<128x128xf32, #tpu.memory_space<vmem>>) dst(%dma_wait3A_300 : memref<128x128xf32, #tpu.memory_space<hbm>>)
    %dma_start3A_305 = arith.constant 2 : i32
    %dma_start3A_306 = arith.constant 0 : i32
    %dma_start3A_307 = arith.constant 0 : i32
    %dma_start3A_308 = tpu.memref_slice %arg8[%dma_start3A_305, %dma_start3A_306, %dma_start3A_307] : memref<7x128x128xf32, #tpu.memory_space<vmem>> -> memref<1x128x128xf32, #tpu.memory_space<vmem>>
    %dma_start3A_309 = tpu.memref_squeeze %dma_start3A_308 : memref<1x128x128xf32, #tpu.memory_space<vmem>> -> memref<128x128xf32, #tpu.memory_space<vmem>>
    %dma_start3A_310 = arith.constant 512 : i32
    %dma_start3A_311 = tpu.memref_slice %arg7[%dma_start3A_310] : memref<1024xi32, #tpu.memory_space<vmem>> -> memref<128xi32, #tpu.memory_space<vmem>>
    %dma_start3A_312 = arith.constant 0 : i32
    %dma_start3A_313 = arith.constant 0 : i32
    %dma_start3A_314 = tpu.memref_slice %arg3[%dma_start3A_312, %dma_start3A_313] : memref<8192x128xf32, #tpu.memory_space<hbm>> -> memref<8192x128xf32, #tpu.memory_space<hbm>>
    tpu.enqueue_indirect_dma source(%dma_start3A_314 : memref<8192x128xf32, #tpu.memory_space<hbm>>) target(%dma_start3A_309 : memref<128x128xf32, #tpu.memory_space<vmem>>) offsets(%dma_start3A_311 : memref<128xi32, #tpu.memory_space<vmem>>) semaphore(%arg11 : memref<!tpu.dma_semaphore, #tpu.memory_space<semaphore_mem>>)
    %dma_wait3A_315 = arith.constant 5 : i32
    %dma_wait3A_316 = arith.constant 0 : i32
    %dma_wait3A_317 = arith.constant 0 : i32
    %dma_wait3A_318 = tpu.memref_slice %arg8[%dma_wait3A_315, %dma_wait3A_316, %dma_wait3A_317] : memref<7x128x128xf32, #tpu.memory_space<vmem>> -> memref<1x128x128xf32, #tpu.memory_space<vmem>>
    %dma_wait3A_319 = tpu.memref_squeeze %dma_wait3A_318 : memref<1x128x128xf32, #tpu.memory_space<vmem>> -> memref<128x128xf32, #tpu.memory_space<vmem>>
    %dma_wait3A_320 = arith.constant 256 : i32
    %dma_wait3A_321 = tpu.memref_slice %arg7[%dma_wait3A_320] : memref<1024xi32, #tpu.memory_space<vmem>> -> memref<128xi32, #tpu.memory_space<vmem>>
    %dma_wait3A_322 = arith.constant 0 : i32
    %dma_wait3A_323 = arith.constant 0 : i32
    %dma_wait3A_324 = tpu.memref_slice %arg3[%dma_wait3A_322, %dma_wait3A_323] : memref<8192x128xf32, #tpu.memory_space<hbm>> -> memref<8192x128xf32, #tpu.memory_space<hbm>>
    tpu.wait_indirect_dma semaphore(%arg14 : memref<!tpu.dma_semaphore, #tpu.memory_space<semaphore_mem>>) src(%dma_wait3A_324 : memref<8192x128xf32, #tpu.memory_space<hbm>>) dst(%dma_wait3A_319 : memref<128x128xf32, #tpu.memory_space<vmem>>)
    %add3A_325 = arith.constant 256 : i32
    %add3A_326 = arith.addi %mul3A_2, %add3A_325 : i32
    %dma_start3A_327 = arith.constant 5 : i32
    %dma_start3A_328 = arith.constant 0 : i32
    %dma_start3A_329 = arith.constant 0 : i32
    %dma_start3A_330 = tpu.memref_slice %arg8[%dma_start3A_327, %dma_start3A_328, %dma_start3A_329] : memref<7x128x128xf32, #tpu.memory_space<vmem>> -> memref<1x128x128xf32, #tpu.memory_space<vmem>>
    %dma_start3A_331 = tpu.memref_squeeze %dma_start3A_330 : memref<1x128x128xf32, #tpu.memory_space<vmem>> -> memref<128x128xf32, #tpu.memory_space<vmem>>
    %dma_start3A_332 = arith.constant 0 : i32
    %dma_start3A_333 = tpu.memref_slice %arg6[%add3A_326, %dma_start3A_332] : memref<32768x128xf32, #tpu.memory_space<hbm>> -> memref<128x128xf32, #tpu.memory_space<hbm>>
    %dma_start3A_334 = arith.constant 0 : i32
    %dma_start3A_335 = tpu.memref_slice %arg6[%add3A_326, %dma_start3A_334] : memref<32768x128xf32, #tpu.memory_space<hbm>> -> memref<128x128xf32, #tpu.memory_space<hbm>>
    %dma_start3A_336 = arith.constant 0 : i32
    %dma_start3A_337 = arith.constant 0 : i32
    %dma_start3A_338 = tpu.memref_slice %arg8[%dma_start3A_327, %dma_start3A_336, %dma_start3A_337] : memref<7x128x128xf32, #tpu.memory_space<vmem>> -> memref<1x128x128xf32, #tpu.memory_space<vmem>>
    %dma_start3A_339 = tpu.memref_squeeze %dma_start3A_338 : memref<1x128x128xf32, #tpu.memory_space<vmem>> -> memref<128x128xf32, #tpu.memory_space<vmem>>
    tpu.enqueue_dma source(%dma_start3A_339 : memref<128x128xf32, #tpu.memory_space<vmem>>) target(%dma_start3A_335 : memref<128x128xf32, #tpu.memory_space<hbm>>) target_semaphore(%arg21 : memref<!tpu.dma_semaphore, #tpu.memory_space<semaphore_mem>>)
    %dma_wait3A_340 = arith.constant 3 : i32
    %dma_wait3A_341 = arith.constant 0 : i32
    %dma_wait3A_342 = arith.constant 0 : i32
    %dma_wait3A_343 = tpu.memref_slice %arg8[%dma_wait3A_340, %dma_wait3A_341, %dma_wait3A_342] : memref<7x128x128xf32, #tpu.memory_space<vmem>> -> memref<1x128x128xf32, #tpu.memory_space<vmem>>
    %dma_wait3A_344 = tpu.memref_squeeze %dma_wait3A_343 : memref<1x128x128xf32, #tpu.memory_space<vmem>> -> memref<128x128xf32, #tpu.memory_space<vmem>>
    %dma_wait3A_345 = arith.constant 0 : i32
    %dma_wait3A_346 = tpu.memref_slice %arg6[%add3A_230, %dma_wait3A_345] : memref<32768x128xf32, #tpu.memory_space<hbm>> -> memref<128x128xf32, #tpu.memory_space<hbm>>
    %dma_wait3A_347 = arith.constant 0 : i32
    %dma_wait3A_348 = tpu.memref_slice %arg6[%add3A_230, %dma_wait3A_347] : memref<32768x128xf32, #tpu.memory_space<hbm>> -> memref<128x128xf32, #tpu.memory_space<hbm>>
    %dma_wait3A_349 = arith.constant 0 : i32
    %dma_wait3A_350 = arith.constant 0 : i32
    %dma_wait3A_351 = tpu.memref_slice %arg8[%dma_wait3A_340, %dma_wait3A_349, %dma_wait3A_350] : memref<7x128x128xf32, #tpu.memory_space<vmem>> -> memref<1x128x128xf32, #tpu.memory_space<vmem>>
    %dma_wait3A_352 = tpu.memref_squeeze %dma_wait3A_351 : memref<1x128x128xf32, #tpu.memory_space<vmem>> -> memref<128x128xf32, #tpu.memory_space<vmem>>
    tpu.wait_dma2 semaphore(%arg19 : memref<!tpu.dma_semaphore, #tpu.memory_space<semaphore_mem>>) src(%dma_wait3A_352 : memref<128x128xf32, #tpu.memory_space<vmem>>) dst(%dma_wait3A_348 : memref<128x128xf32, #tpu.memory_space<hbm>>)
    %dma_start3A_353 = arith.constant 3 : i32
    %dma_start3A_354 = arith.constant 0 : i32
    %dma_start3A_355 = arith.constant 0 : i32
    %dma_start3A_356 = tpu.memref_slice %arg8[%dma_start3A_353, %dma_start3A_354, %dma_start3A_355] : memref<7x128x128xf32, #tpu.memory_space<vmem>> -> memref<1x128x128xf32, #tpu.memory_space<vmem>>
    %dma_start3A_357 = tpu.memref_squeeze %dma_start3A_356 : memref<1x128x128xf32, #tpu.memory_space<vmem>> -> memref<128x128xf32, #tpu.memory_space<vmem>>
    %dma_start3A_358 = arith.constant 640 : i32
    %dma_start3A_359 = tpu.memref_slice %arg7[%dma_start3A_358] : memref<1024xi32, #tpu.memory_space<vmem>> -> memref<128xi32, #tpu.memory_space<vmem>>
    %dma_start3A_360 = arith.constant 0 : i32
    %dma_start3A_361 = arith.constant 0 : i32
    %dma_start3A_362 = tpu.memref_slice %arg2[%dma_start3A_360, %dma_start3A_361] : memref<8192x128xf32, #tpu.memory_space<hbm>> -> memref<8192x128xf32, #tpu.memory_space<hbm>>
    tpu.enqueue_indirect_dma source(%dma_start3A_362 : memref<8192x128xf32, #tpu.memory_space<hbm>>) target(%dma_start3A_357 : memref<128x128xf32, #tpu.memory_space<vmem>>) offsets(%dma_start3A_359 : memref<128xi32, #tpu.memory_space<vmem>>) semaphore(%arg12 : memref<!tpu.dma_semaphore, #tpu.memory_space<semaphore_mem>>)
    %dma_wait3A_363 = arith.constant 6 : i32
    %dma_wait3A_364 = arith.constant 0 : i32
    %dma_wait3A_365 = arith.constant 0 : i32
    %dma_wait3A_366 = tpu.memref_slice %arg8[%dma_wait3A_363, %dma_wait3A_364, %dma_wait3A_365] : memref<7x128x128xf32, #tpu.memory_space<vmem>> -> memref<1x128x128xf32, #tpu.memory_space<vmem>>
    %dma_wait3A_367 = tpu.memref_squeeze %dma_wait3A_366 : memref<1x128x128xf32, #tpu.memory_space<vmem>> -> memref<128x128xf32, #tpu.memory_space<vmem>>
    %dma_wait3A_368 = arith.constant 384 : i32
    %dma_wait3A_369 = tpu.memref_slice %arg7[%dma_wait3A_368] : memref<1024xi32, #tpu.memory_space<vmem>> -> memref<128xi32, #tpu.memory_space<vmem>>
    %dma_wait3A_370 = arith.constant 0 : i32
    %dma_wait3A_371 = arith.constant 0 : i32
    %dma_wait3A_372 = tpu.memref_slice %arg2[%dma_wait3A_370, %dma_wait3A_371] : memref<8192x128xf32, #tpu.memory_space<hbm>> -> memref<8192x128xf32, #tpu.memory_space<hbm>>
    tpu.wait_indirect_dma semaphore(%arg15 : memref<!tpu.dma_semaphore, #tpu.memory_space<semaphore_mem>>) src(%dma_wait3A_372 : memref<8192x128xf32, #tpu.memory_space<hbm>>) dst(%dma_wait3A_367 : memref<128x128xf32, #tpu.memory_space<vmem>>)
    %add3A_373 = arith.constant 384 : i32
    %add3A_374 = arith.addi %mul3A_2, %add3A_373 : i32
    %dma_start3A_375 = arith.constant 6 : i32
    %dma_start3A_376 = arith.constant 0 : i32
    %dma_start3A_377 = arith.constant 0 : i32
    %dma_start3A_378 = tpu.memref_slice %arg8[%dma_start3A_375, %dma_start3A_376, %dma_start3A_377] : memref<7x128x128xf32, #tpu.memory_space<vmem>> -> memref<1x128x128xf32, #tpu.memory_space<vmem>>
    %dma_start3A_379 = tpu.memref_squeeze %dma_start3A_378 : memref<1x128x128xf32, #tpu.memory_space<vmem>> -> memref<128x128xf32, #tpu.memory_space<vmem>>
    %dma_start3A_380 = arith.constant 0 : i32
    %dma_start3A_381 = tpu.memref_slice %arg5[%add3A_374, %dma_start3A_380] : memref<32768x128xf32, #tpu.memory_space<hbm>> -> memref<128x128xf32, #tpu.memory_space<hbm>>
    %dma_start3A_382 = arith.constant 0 : i32
    %dma_start3A_383 = tpu.memref_slice %arg5[%add3A_374, %dma_start3A_382] : memref<32768x128xf32, #tpu.memory_space<hbm>> -> memref<128x128xf32, #tpu.memory_space<hbm>>
    %dma_start3A_384 = arith.constant 0 : i32
    %dma_start3A_385 = arith.constant 0 : i32
    %dma_start3A_386 = tpu.memref_slice %arg8[%dma_start3A_375, %dma_start3A_384, %dma_start3A_385] : memref<7x128x128xf32, #tpu.memory_space<vmem>> -> memref<1x128x128xf32, #tpu.memory_space<vmem>>
    %dma_start3A_387 = tpu.memref_squeeze %dma_start3A_386 : memref<1x128x128xf32, #tpu.memory_space<vmem>> -> memref<128x128xf32, #tpu.memory_space<vmem>>
    tpu.enqueue_dma source(%dma_start3A_387 : memref<128x128xf32, #tpu.memory_space<vmem>>) target(%dma_start3A_383 : memref<128x128xf32, #tpu.memory_space<hbm>>) target_semaphore(%arg22 : memref<!tpu.dma_semaphore, #tpu.memory_space<semaphore_mem>>)
    %dma_wait3A_388 = arith.constant 4 : i32
    %dma_wait3A_389 = arith.constant 0 : i32
    %dma_wait3A_390 = arith.constant 0 : i32
    %dma_wait3A_391 = tpu.memref_slice %arg8[%dma_wait3A_388, %dma_wait3A_389, %dma_wait3A_390] : memref<7x128x128xf32, #tpu.memory_space<vmem>> -> memref<1x128x128xf32, #tpu.memory_space<vmem>>
    %dma_wait3A_392 = tpu.memref_squeeze %dma_wait3A_391 : memref<1x128x128xf32, #tpu.memory_space<vmem>> -> memref<128x128xf32, #tpu.memory_space<vmem>>
    %dma_wait3A_393 = arith.constant 0 : i32
    %dma_wait3A_394 = tpu.memref_slice %arg5[%add3A_278, %dma_wait3A_393] : memref<32768x128xf32, #tpu.memory_space<hbm>> -> memref<128x128xf32, #tpu.memory_space<hbm>>
    %dma_wait3A_395 = arith.constant 0 : i32
    %dma_wait3A_396 = tpu.memref_slice %arg5[%add3A_278, %dma_wait3A_395] : memref<32768x128xf32, #tpu.memory_space<hbm>> -> memref<128x128xf32, #tpu.memory_space<hbm>>
    %dma_wait3A_397 = arith.constant 0 : i32
    %dma_wait3A_398 = arith.constant 0 : i32
    %dma_wait3A_399 = tpu.memref_slice %arg8[%dma_wait3A_388, %dma_wait3A_397, %dma_wait3A_398] : memref<7x128x128xf32, #tpu.memory_space<vmem>> -> memref<1x128x128xf32, #tpu.memory_space<vmem>>
    %dma_wait3A_400 = tpu.memref_squeeze %dma_wait3A_399 : memref<1x128x128xf32, #tpu.memory_space<vmem>> -> memref<128x128xf32, #tpu.memory_space<vmem>>
    tpu.wait_dma2 semaphore(%arg20 : memref<!tpu.dma_semaphore, #tpu.memory_space<semaphore_mem>>) src(%dma_wait3A_400 : memref<128x128xf32, #tpu.memory_space<vmem>>) dst(%dma_wait3A_396 : memref<128x128xf32, #tpu.memory_space<hbm>>)
    %dma_start3A_401 = arith.constant 4 : i32
    %dma_start3A_402 = arith.constant 0 : i32
    %dma_start3A_403 = arith.constant 0 : i32
    %dma_start3A_404 = tpu.memref_slice %arg8[%dma_start3A_401, %dma_start3A_402, %dma_start3A_403] : memref<7x128x128xf32, #tpu.memory_space<vmem>> -> memref<1x128x128xf32, #tpu.memory_space<vmem>>
    %dma_start3A_405 = tpu.memref_squeeze %dma_start3A_404 : memref<1x128x128xf32, #tpu.memory_space<vmem>> -> memref<128x128xf32, #tpu.memory_space<vmem>>
    %dma_start3A_406 = arith.constant 640 : i32
    %dma_start3A_407 = tpu.memref_slice %arg7[%dma_start3A_406] : memref<1024xi32, #tpu.memory_space<vmem>> -> memref<128xi32, #tpu.memory_space<vmem>>
    %dma_start3A_408 = arith.constant 0 : i32
    %dma_start3A_409 = arith.constant 0 : i32
    %dma_start3A_410 = tpu.memref_slice %arg3[%dma_start3A_408, %dma_start3A_409] : memref<8192x128xf32, #tpu.memory_space<hbm>> -> memref<8192x128xf32, #tpu.memory_space<hbm>>
    tpu.enqueue_indirect_dma source(%dma_start3A_410 : memref<8192x128xf32, #tpu.memory_space<hbm>>) target(%dma_start3A_405 : memref<128x128xf32, #tpu.memory_space<vmem>>) offsets(%dma_start3A_407 : memref<128xi32, #tpu.memory_space<vmem>>) semaphore(%arg13 : memref<!tpu.dma_semaphore, #tpu.memory_space<semaphore_mem>>)
    %dma_wait3A_411 = arith.constant 0 : i32
    %dma_wait3A_412 = arith.constant 0 : i32
    %dma_wait3A_413 = arith.constant 0 : i32
    %dma_wait3A_414 = tpu.memref_slice %arg8[%dma_wait3A_411, %dma_wait3A_412, %dma_wait3A_413] : memref<7x128x128xf32, #tpu.memory_space<vmem>> -> memref<1x128x128xf32, #tpu.memory_space<vmem>>
    %dma_wait3A_415 = tpu.memref_squeeze %dma_wait3A_414 : memref<1x128x128xf32, #tpu.memory_space<vmem>> -> memref<128x128xf32, #tpu.memory_space<vmem>>
    %dma_wait3A_416 = arith.constant 384 : i32
    %dma_wait3A_417 = tpu.memref_slice %arg7[%dma_wait3A_416] : memref<1024xi32, #tpu.memory_space<vmem>> -> memref<128xi32, #tpu.memory_space<vmem>>
    %dma_wait3A_418 = arith.constant 0 : i32
    %dma_wait3A_419 = arith.constant 0 : i32
    %dma_wait3A_420 = tpu.memref_slice %arg3[%dma_wait3A_418, %dma_wait3A_419] : memref<8192x128xf32, #tpu.memory_space<hbm>> -> memref<8192x128xf32, #tpu.memory_space<hbm>>
    tpu.wait_indirect_dma semaphore(%arg9 : memref<!tpu.dma_semaphore, #tpu.memory_space<semaphore_mem>>) src(%dma_wait3A_420 : memref<8192x128xf32, #tpu.memory_space<hbm>>) dst(%dma_wait3A_415 : memref<128x128xf32, #tpu.memory_space<vmem>>)
    %add3A_421 = arith.constant 384 : i32
    %add3A_422 = arith.addi %mul3A_2, %add3A_421 : i32
    %dma_start3A_423 = arith.constant 0 : i32
    %dma_start3A_424 = arith.constant 0 : i32
    %dma_start3A_425 = arith.constant 0 : i32
    %dma_start3A_426 = tpu.memref_slice %arg8[%dma_start3A_423, %dma_start3A_424, %dma_start3A_425] : memref<7x128x128xf32, #tpu.memory_space<vmem>> -> memref<1x128x128xf32, #tpu.memory_space<vmem>>
    %dma_start3A_427 = tpu.memref_squeeze %dma_start3A_426 : memref<1x128x128xf32, #tpu.memory_space<vmem>> -> memref<128x128xf32, #tpu.memory_space<vmem>>
    %dma_start3A_428 = arith.constant 0 : i32
    %dma_start3A_429 = tpu.memref_slice %arg6[%add3A_422, %dma_start3A_428] : memref<32768x128xf32, #tpu.memory_space<hbm>> -> memref<128x128xf32, #tpu.memory_space<hbm>>
    %dma_start3A_430 = arith.constant 0 : i32
    %dma_start3A_431 = tpu.memref_slice %arg6[%add3A_422, %dma_start3A_430] : memref<32768x128xf32, #tpu.memory_space<hbm>> -> memref<128x128xf32, #tpu.memory_space<hbm>>
    %dma_start3A_432 = arith.constant 0 : i32
    %dma_start3A_433 = arith.constant 0 : i32
    %dma_start3A_434 = tpu.memref_slice %arg8[%dma_start3A_423, %dma_start3A_432, %dma_start3A_433] : memref<7x128x128xf32, #tpu.memory_space<vmem>> -> memref<1x128x128xf32, #tpu.memory_space<vmem>>
    %dma_start3A_435 = tpu.memref_squeeze %dma_start3A_434 : memref<1x128x128xf32, #tpu.memory_space<vmem>> -> memref<128x128xf32, #tpu.memory_space<vmem>>
    tpu.enqueue_dma source(%dma_start3A_435 : memref<128x128xf32, #tpu.memory_space<vmem>>) target(%dma_start3A_431 : memref<128x128xf32, #tpu.memory_space<hbm>>) target_semaphore(%arg16 : memref<!tpu.dma_semaphore, #tpu.memory_space<semaphore_mem>>)
    %dma_wait3A_436 = arith.constant 5 : i32
    %dma_wait3A_437 = arith.constant 0 : i32
    %dma_wait3A_438 = arith.constant 0 : i32
    %dma_wait3A_439 = tpu.memref_slice %arg8[%dma_wait3A_436, %dma_wait3A_437, %dma_wait3A_438] : memref<7x128x128xf32, #tpu.memory_space<vmem>> -> memref<1x128x128xf32, #tpu.memory_space<vmem>>
    %dma_wait3A_440 = tpu.memref_squeeze %dma_wait3A_439 : memref<1x128x128xf32, #tpu.memory_space<vmem>> -> memref<128x128xf32, #tpu.memory_space<vmem>>
    %dma_wait3A_441 = arith.constant 0 : i32
    %dma_wait3A_442 = tpu.memref_slice %arg6[%add3A_326, %dma_wait3A_441] : memref<32768x128xf32, #tpu.memory_space<hbm>> -> memref<128x128xf32, #tpu.memory_space<hbm>>
    %dma_wait3A_443 = arith.constant 0 : i32
    %dma_wait3A_444 = tpu.memref_slice %arg6[%add3A_326, %dma_wait3A_443] : memref<32768x128xf32, #tpu.memory_space<hbm>> -> memref<128x128xf32, #tpu.memory_space<hbm>>
    %dma_wait3A_445 = arith.constant 0 : i32
    %dma_wait3A_446 = arith.constant 0 : i32
    %dma_wait3A_447 = tpu.memref_slice %arg8[%dma_wait3A_436, %dma_wait3A_445, %dma_wait3A_446] : memref<7x128x128xf32, #tpu.memory_space<vmem>> -> memref<1x128x128xf32, #tpu.memory_space<vmem>>
    %dma_wait3A_448 = tpu.memref_squeeze %dma_wait3A_447 : memref<1x128x128xf32, #tpu.memory_space<vmem>> -> memref<128x128xf32, #tpu.memory_space<vmem>>
    tpu.wait_dma2 semaphore(%arg21 : memref<!tpu.dma_semaphore, #tpu.memory_space<semaphore_mem>>) src(%dma_wait3A_448 : memref<128x128xf32, #tpu.memory_space<vmem>>) dst(%dma_wait3A_444 : memref<128x128xf32, #tpu.memory_space<hbm>>)
    %dma_start3A_449 = arith.constant 5 : i32
    %dma_start3A_450 = arith.constant 0 : i32
    %dma_start3A_451 = arith.constant 0 : i32
    %dma_start3A_452 = tpu.memref_slice %arg8[%dma_start3A_449, %dma_start3A_450, %dma_start3A_451] : memref<7x128x128xf32, #tpu.memory_space<vmem>> -> memref<1x128x128xf32, #tpu.memory_space<vmem>>
    %dma_start3A_453 = tpu.memref_squeeze %dma_start3A_452 : memref<1x128x128xf32, #tpu.memory_space<vmem>> -> memref<128x128xf32, #tpu.memory_space<vmem>>
    %dma_start3A_454 = arith.constant 768 : i32
    %dma_start3A_455 = tpu.memref_slice %arg7[%dma_start3A_454] : memref<1024xi32, #tpu.memory_space<vmem>> -> memref<128xi32, #tpu.memory_space<vmem>>
    %dma_start3A_456 = arith.constant 0 : i32
    %dma_start3A_457 = arith.constant 0 : i32
    %dma_start3A_458 = tpu.memref_slice %arg2[%dma_start3A_456, %dma_start3A_457] : memref<8192x128xf32, #tpu.memory_space<hbm>> -> memref<8192x128xf32, #tpu.memory_space<hbm>>
    tpu.enqueue_indirect_dma source(%dma_start3A_458 : memref<8192x128xf32, #tpu.memory_space<hbm>>) target(%dma_start3A_453 : memref<128x128xf32, #tpu.memory_space<vmem>>) offsets(%dma_start3A_455 : memref<128xi32, #tpu.memory_space<vmem>>) semaphore(%arg14 : memref<!tpu.dma_semaphore, #tpu.memory_space<semaphore_mem>>)
    %dma_wait3A_459 = arith.constant 1 : i32
    %dma_wait3A_460 = arith.constant 0 : i32
    %dma_wait3A_461 = arith.constant 0 : i32
    %dma_wait3A_462 = tpu.memref_slice %arg8[%dma_wait3A_459, %dma_wait3A_460, %dma_wait3A_461] : memref<7x128x128xf32, #tpu.memory_space<vmem>> -> memref<1x128x128xf32, #tpu.memory_space<vmem>>
    %dma_wait3A_463 = tpu.memref_squeeze %dma_wait3A_462 : memref<1x128x128xf32, #tpu.memory_space<vmem>> -> memref<128x128xf32, #tpu.memory_space<vmem>>
    %dma_wait3A_464 = arith.constant 512 : i32
    %dma_wait3A_465 = tpu.memref_slice %arg7[%dma_wait3A_464] : memref<1024xi32, #tpu.memory_space<vmem>> -> memref<128xi32, #tpu.memory_space<vmem>>
    %dma_wait3A_466 = arith.constant 0 : i32
    %dma_wait3A_467 = arith.constant 0 : i32
    %dma_wait3A_468 = tpu.memref_slice %arg2[%dma_wait3A_466, %dma_wait3A_467] : memref<8192x128xf32, #tpu.memory_space<hbm>> -> memref<8192x128xf32, #tpu.memory_space<hbm>>
    tpu.wait_indirect_dma semaphore(%arg10 : memref<!tpu.dma_semaphore, #tpu.memory_space<semaphore_mem>>) src(%dma_wait3A_468 : memref<8192x128xf32, #tpu.memory_space<hbm>>) dst(%dma_wait3A_463 : memref<128x128xf32, #tpu.memory_space<vmem>>)
    %add3A_469 = arith.constant 512 : i32
    %add3A_470 = arith.addi %mul3A_2, %add3A_469 : i32
    %dma_start3A_471 = arith.constant 1 : i32
    %dma_start3A_472 = arith.constant 0 : i32
    %dma_start3A_473 = arith.constant 0 : i32
    %dma_start3A_474 = tpu.memref_slice %arg8[%dma_start3A_471, %dma_start3A_472, %dma_start3A_473] : memref<7x128x128xf32, #tpu.memory_space<vmem>> -> memref<1x128x128xf32, #tpu.memory_space<vmem>>
    %dma_start3A_475 = tpu.memref_squeeze %dma_start3A_474 : memref<1x128x128xf32, #tpu.memory_space<vmem>> -> memref<128x128xf32, #tpu.memory_space<vmem>>
    %dma_start3A_476 = arith.constant 0 : i32
    %dma_start3A_477 = tpu.memref_slice %arg5[%add3A_470, %dma_start3A_476] : memref<32768x128xf32, #tpu.memory_space<hbm>> -> memref<128x128xf32, #tpu.memory_space<hbm>>
    %dma_start3A_478 = arith.constant 0 : i32
    %dma_start3A_479 = tpu.memref_slice %arg5[%add3A_470, %dma_start3A_478] : memref<32768x128xf32, #tpu.memory_space<hbm>> -> memref<128x128xf32, #tpu.memory_space<hbm>>
    %dma_start3A_480 = arith.constant 0 : i32
    %dma_start3A_481 = arith.constant 0 : i32
    %dma_start3A_482 = tpu.memref_slice %arg8[%dma_start3A_471, %dma_start3A_480, %dma_start3A_481] : memref<7x128x128xf32, #tpu.memory_space<vmem>> -> memref<1x128x128xf32, #tpu.memory_space<vmem>>
    %dma_start3A_483 = tpu.memref_squeeze %dma_start3A_482 : memref<1x128x128xf32, #tpu.memory_space<vmem>> -> memref<128x128xf32, #tpu.memory_space<vmem>>
    tpu.enqueue_dma source(%dma_start3A_483 : memref<128x128xf32, #tpu.memory_space<vmem>>) target(%dma_start3A_479 : memref<128x128xf32, #tpu.memory_space<hbm>>) target_semaphore(%arg17 : memref<!tpu.dma_semaphore, #tpu.memory_space<semaphore_mem>>)
    %dma_wait3A_484 = arith.constant 6 : i32
    %dma_wait3A_485 = arith.constant 0 : i32
    %dma_wait3A_486 = arith.constant 0 : i32
    %dma_wait3A_487 = tpu.memref_slice %arg8[%dma_wait3A_484, %dma_wait3A_485, %dma_wait3A_486] : memref<7x128x128xf32, #tpu.memory_space<vmem>> -> memref<1x128x128xf32, #tpu.memory_space<vmem>>
    %dma_wait3A_488 = tpu.memref_squeeze %dma_wait3A_487 : memref<1x128x128xf32, #tpu.memory_space<vmem>> -> memref<128x128xf32, #tpu.memory_space<vmem>>
    %dma_wait3A_489 = arith.constant 0 : i32
    %dma_wait3A_490 = tpu.memref_slice %arg5[%add3A_374, %dma_wait3A_489] : memref<32768x128xf32, #tpu.memory_space<hbm>> -> memref<128x128xf32, #tpu.memory_space<hbm>>
    %dma_wait3A_491 = arith.constant 0 : i32
    %dma_wait3A_492 = tpu.memref_slice %arg5[%add3A_374, %dma_wait3A_491] : memref<32768x128xf32, #tpu.memory_space<hbm>> -> memref<128x128xf32, #tpu.memory_space<hbm>>
    %dma_wait3A_493 = arith.constant 0 : i32
    %dma_wait3A_494 = arith.constant 0 : i32
    %dma_wait3A_495 = tpu.memref_slice %arg8[%dma_wait3A_484, %dma_wait3A_493, %dma_wait3A_494] : memref<7x128x128xf32, #tpu.memory_space<vmem>> -> memref<1x128x128xf32, #tpu.memory_space<vmem>>
    %dma_wait3A_496 = tpu.memref_squeeze %dma_wait3A_495 : memref<1x128x128xf32, #tpu.memory_space<vmem>> -> memref<128x128xf32, #tpu.memory_space<vmem>>
    tpu.wait_dma2 semaphore(%arg22 : memref<!tpu.dma_semaphore, #tpu.memory_space<semaphore_mem>>) src(%dma_wait3A_496 : memref<128x128xf32, #tpu.memory_space<vmem>>) dst(%dma_wait3A_492 : memref<128x128xf32, #tpu.memory_space<hbm>>)
    %dma_start3A_497 = arith.constant 6 : i32
    %dma_start3A_498 = arith.constant 0 : i32
    %dma_start3A_499 = arith.constant 0 : i32
    %dma_start3A_500 = tpu.memref_slice %arg8[%dma_start3A_497, %dma_start3A_498, %dma_start3A_499] : memref<7x128x128xf32, #tpu.memory_space<vmem>> -> memref<1x128x128xf32, #tpu.memory_space<vmem>>
    %dma_start3A_501 = tpu.memref_squeeze %dma_start3A_500 : memref<1x128x128xf32, #tpu.memory_space<vmem>> -> memref<128x128xf32, #tpu.memory_space<vmem>>
    %dma_start3A_502 = arith.constant 768 : i32
    %dma_start3A_503 = tpu.memref_slice %arg7[%dma_start3A_502] : memref<1024xi32, #tpu.memory_space<vmem>> -> memref<128xi32, #tpu.memory_space<vmem>>
    %dma_start3A_504 = arith.constant 0 : i32
    %dma_start3A_505 = arith.constant 0 : i32
    %dma_start3A_506 = tpu.memref_slice %arg3[%dma_start3A_504, %dma_start3A_505] : memref<8192x128xf32, #tpu.memory_space<hbm>> -> memref<8192x128xf32, #tpu.memory_space<hbm>>
    tpu.enqueue_indirect_dma source(%dma_start3A_506 : memref<8192x128xf32, #tpu.memory_space<hbm>>) target(%dma_start3A_501 : memref<128x128xf32, #tpu.memory_space<vmem>>) offsets(%dma_start3A_503 : memref<128xi32, #tpu.memory_space<vmem>>) semaphore(%arg15 : memref<!tpu.dma_semaphore, #tpu.memory_space<semaphore_mem>>)
    %dma_wait3A_507 = arith.constant 2 : i32
    %dma_wait3A_508 = arith.constant 0 : i32
    %dma_wait3A_509 = arith.constant 0 : i32
    %dma_wait3A_510 = tpu.memref_slice %arg8[%dma_wait3A_507, %dma_wait3A_508, %dma_wait3A_509] : memref<7x128x128xf32, #tpu.memory_space<vmem>> -> memref<1x128x128xf32, #tpu.memory_space<vmem>>
    %dma_wait3A_511 = tpu.memref_squeeze %dma_wait3A_510 : memref<1x128x128xf32, #tpu.memory_space<vmem>> -> memref<128x128xf32, #tpu.memory_space<vmem>>
    %dma_wait3A_512 = arith.constant 512 : i32
    %dma_wait3A_513 = tpu.memref_slice %arg7[%dma_wait3A_512] : memref<1024xi32, #tpu.memory_space<vmem>> -> memref<128xi32, #tpu.memory_space<vmem>>
    %dma_wait3A_514 = arith.constant 0 : i32
    %dma_wait3A_515 = arith.constant 0 : i32
    %dma_wait3A_516 = tpu.memref_slice %arg3[%dma_wait3A_514, %dma_wait3A_515] : memref<8192x128xf32, #tpu.memory_space<hbm>> -> memref<8192x128xf32, #tpu.memory_space<hbm>>
    tpu.wait_indirect_dma semaphore(%arg11 : memref<!tpu.dma_semaphore, #tpu.memory_space<semaphore_mem>>) src(%dma_wait3A_516 : memref<8192x128xf32, #tpu.memory_space<hbm>>) dst(%dma_wait3A_511 : memref<128x128xf32, #tpu.memory_space<vmem>>)
    %add3A_517 = arith.constant 512 : i32
    %add3A_518 = arith.addi %mul3A_2, %add3A_517 : i32
    %dma_start3A_519 = arith.constant 2 : i32
    %dma_start3A_520 = arith.constant 0 : i32
    %dma_start3A_521 = arith.constant 0 : i32
    %dma_start3A_522 = tpu.memref_slice %arg8[%dma_start3A_519, %dma_start3A_520, %dma_start3A_521] : memref<7x128x128xf32, #tpu.memory_space<vmem>> -> memref<1x128x128xf32, #tpu.memory_space<vmem>>
    %dma_start3A_523 = tpu.memref_squeeze %dma_start3A_522 : memref<1x128x128xf32, #tpu.memory_space<vmem>> -> memref<128x128xf32, #tpu.memory_space<vmem>>
    %dma_start3A_524 = arith.constant 0 : i32
    %dma_start3A_525 = tpu.memref_slice %arg6[%add3A_518, %dma_start3A_524] : memref<32768x128xf32, #tpu.memory_space<hbm>> -> memref<128x128xf32, #tpu.memory_space<hbm>>
    %dma_start3A_526 = arith.constant 0 : i32
    %dma_start3A_527 = tpu.memref_slice %arg6[%add3A_518, %dma_start3A_526] : memref<32768x128xf32, #tpu.memory_space<hbm>> -> memref<128x128xf32, #tpu.memory_space<hbm>>
    %dma_start3A_528 = arith.constant 0 : i32
    %dma_start3A_529 = arith.constant 0 : i32
    %dma_start3A_530 = tpu.memref_slice %arg8[%dma_start3A_519, %dma_start3A_528, %dma_start3A_529] : memref<7x128x128xf32, #tpu.memory_space<vmem>> -> memref<1x128x128xf32, #tpu.memory_space<vmem>>
    %dma_start3A_531 = tpu.memref_squeeze %dma_start3A_530 : memref<1x128x128xf32, #tpu.memory_space<vmem>> -> memref<128x128xf32, #tpu.memory_space<vmem>>
    tpu.enqueue_dma source(%dma_start3A_531 : memref<128x128xf32, #tpu.memory_space<vmem>>) target(%dma_start3A_527 : memref<128x128xf32, #tpu.memory_space<hbm>>) target_semaphore(%arg18 : memref<!tpu.dma_semaphore, #tpu.memory_space<semaphore_mem>>)
    %dma_wait3A_532 = arith.constant 0 : i32
    %dma_wait3A_533 = arith.constant 0 : i32
    %dma_wait3A_534 = arith.constant 0 : i32
    %dma_wait3A_535 = tpu.memref_slice %arg8[%dma_wait3A_532, %dma_wait3A_533, %dma_wait3A_534] : memref<7x128x128xf32, #tpu.memory_space<vmem>> -> memref<1x128x128xf32, #tpu.memory_space<vmem>>
    %dma_wait3A_536 = tpu.memref_squeeze %dma_wait3A_535 : memref<1x128x128xf32, #tpu.memory_space<vmem>> -> memref<128x128xf32, #tpu.memory_space<vmem>>
    %dma_wait3A_537 = arith.constant 0 : i32
    %dma_wait3A_538 = tpu.memref_slice %arg6[%add3A_422, %dma_wait3A_537] : memref<32768x128xf32, #tpu.memory_space<hbm>> -> memref<128x128xf32, #tpu.memory_space<hbm>>
    %dma_wait3A_539 = arith.constant 0 : i32
    %dma_wait3A_540 = tpu.memref_slice %arg6[%add3A_422, %dma_wait3A_539] : memref<32768x128xf32, #tpu.memory_space<hbm>> -> memref<128x128xf32, #tpu.memory_space<hbm>>
    %dma_wait3A_541 = arith.constant 0 : i32
    %dma_wait3A_542 = arith.constant 0 : i32
    %dma_wait3A_543 = tpu.memref_slice %arg8[%dma_wait3A_532, %dma_wait3A_541, %dma_wait3A_542] : memref<7x128x128xf32, #tpu.memory_space<vmem>> -> memref<1x128x128xf32, #tpu.memory_space<vmem>>
    %dma_wait3A_544 = tpu.memref_squeeze %dma_wait3A_543 : memref<1x128x128xf32, #tpu.memory_space<vmem>> -> memref<128x128xf32, #tpu.memory_space<vmem>>
    tpu.wait_dma2 semaphore(%arg16 : memref<!tpu.dma_semaphore, #tpu.memory_space<semaphore_mem>>) src(%dma_wait3A_544 : memref<128x128xf32, #tpu.memory_space<vmem>>) dst(%dma_wait3A_540 : memref<128x128xf32, #tpu.memory_space<hbm>>)
    %dma_start3A_545 = arith.constant 0 : i32
    %dma_start3A_546 = arith.constant 0 : i32
    %dma_start3A_547 = arith.constant 0 : i32
    %dma_start3A_548 = tpu.memref_slice %arg8[%dma_start3A_545, %dma_start3A_546, %dma_start3A_547] : memref<7x128x128xf32, #tpu.memory_space<vmem>> -> memref<1x128x128xf32, #tpu.memory_space<vmem>>
    %dma_start3A_549 = tpu.memref_squeeze %dma_start3A_548 : memref<1x128x128xf32, #tpu.memory_space<vmem>> -> memref<128x128xf32, #tpu.memory_space<vmem>>
    %dma_start3A_550 = arith.constant 896 : i32
    %dma_start3A_551 = tpu.memref_slice %arg7[%dma_start3A_550] : memref<1024xi32, #tpu.memory_space<vmem>> -> memref<128xi32, #tpu.memory_space<vmem>>
    %dma_start3A_552 = arith.constant 0 : i32
    %dma_start3A_553 = arith.constant 0 : i32
    %dma_start3A_554 = tpu.memref_slice %arg2[%dma_start3A_552, %dma_start3A_553] : memref<8192x128xf32, #tpu.memory_space<hbm>> -> memref<8192x128xf32, #tpu.memory_space<hbm>>
    tpu.enqueue_indirect_dma source(%dma_start3A_554 : memref<8192x128xf32, #tpu.memory_space<hbm>>) target(%dma_start3A_549 : memref<128x128xf32, #tpu.memory_space<vmem>>) offsets(%dma_start3A_551 : memref<128xi32, #tpu.memory_space<vmem>>) semaphore(%arg9 : memref<!tpu.dma_semaphore, #tpu.memory_space<semaphore_mem>>)
    %dma_wait3A_555 = arith.constant 3 : i32
    %dma_wait3A_556 = arith.constant 0 : i32
    %dma_wait3A_557 = arith.constant 0 : i32
    %dma_wait3A_558 = tpu.memref_slice %arg8[%dma_wait3A_555, %dma_wait3A_556, %dma_wait3A_557] : memref<7x128x128xf32, #tpu.memory_space<vmem>> -> memref<1x128x128xf32, #tpu.memory_space<vmem>>
    %dma_wait3A_559 = tpu.memref_squeeze %dma_wait3A_558 : memref<1x128x128xf32, #tpu.memory_space<vmem>> -> memref<128x128xf32, #tpu.memory_space<vmem>>
    %dma_wait3A_560 = arith.constant 640 : i32
    %dma_wait3A_561 = tpu.memref_slice %arg7[%dma_wait3A_560] : memref<1024xi32, #tpu.memory_space<vmem>> -> memref<128xi32, #tpu.memory_space<vmem>>
    %dma_wait3A_562 = arith.constant 0 : i32
    %dma_wait3A_563 = arith.constant 0 : i32
    %dma_wait3A_564 = tpu.memref_slice %arg2[%dma_wait3A_562, %dma_wait3A_563] : memref<8192x128xf32, #tpu.memory_space<hbm>> -> memref<8192x128xf32, #tpu.memory_space<hbm>>
    tpu.wait_indirect_dma semaphore(%arg12 : memref<!tpu.dma_semaphore, #tpu.memory_space<semaphore_mem>>) src(%dma_wait3A_564 : memref<8192x128xf32, #tpu.memory_space<hbm>>) dst(%dma_wait3A_559 : memref<128x128xf32, #tpu.memory_space<vmem>>)
    %add3A_565 = arith.constant 640 : i32
    %add3A_566 = arith.addi %mul3A_2, %add3A_565 : i32
    %dma_start3A_567 = arith.constant 3 : i32
    %dma_start3A_568 = arith.constant 0 : i32
    %dma_start3A_569 = arith.constant 0 : i32
    %dma_start3A_570 = tpu.memref_slice %arg8[%dma_start3A_567, %dma_start3A_568, %dma_start3A_569] : memref<7x128x128xf32, #tpu.memory_space<vmem>> -> memref<1x128x128xf32, #tpu.memory_space<vmem>>
    %dma_start3A_571 = tpu.memref_squeeze %dma_start3A_570 : memref<1x128x128xf32, #tpu.memory_space<vmem>> -> memref<128x128xf32, #tpu.memory_space<vmem>>
    %dma_start3A_572 = arith.constant 0 : i32
    %dma_start3A_573 = tpu.memref_slice %arg5[%add3A_566, %dma_start3A_572] : memref<32768x128xf32, #tpu.memory_space<hbm>> -> memref<128x128xf32, #tpu.memory_space<hbm>>
    %dma_start3A_574 = arith.constant 0 : i32
    %dma_start3A_575 = tpu.memref_slice %arg5[%add3A_566, %dma_start3A_574] : memref<32768x128xf32, #tpu.memory_space<hbm>> -> memref<128x128xf32, #tpu.memory_space<hbm>>
    %dma_start3A_576 = arith.constant 0 : i32
    %dma_start3A_577 = arith.constant 0 : i32
    %dma_start3A_578 = tpu.memref_slice %arg8[%dma_start3A_567, %dma_start3A_576, %dma_start3A_577] : memref<7x128x128xf32, #tpu.memory_space<vmem>> -> memref<1x128x128xf32, #tpu.memory_space<vmem>>
    %dma_start3A_579 = tpu.memref_squeeze %dma_start3A_578 : memref<1x128x128xf32, #tpu.memory_space<vmem>> -> memref<128x128xf32, #tpu.memory_space<vmem>>
    tpu.enqueue_dma source(%dma_start3A_579 : memref<128x128xf32, #tpu.memory_space<vmem>>) target(%dma_start3A_575 : memref<128x128xf32, #tpu.memory_space<hbm>>) target_semaphore(%arg19 : memref<!tpu.dma_semaphore, #tpu.memory_space<semaphore_mem>>)
    %dma_wait3A_580 = arith.constant 1 : i32
    %dma_wait3A_581 = arith.constant 0 : i32
    %dma_wait3A_582 = arith.constant 0 : i32
    %dma_wait3A_583 = tpu.memref_slice %arg8[%dma_wait3A_580, %dma_wait3A_581, %dma_wait3A_582] : memref<7x128x128xf32, #tpu.memory_space<vmem>> -> memref<1x128x128xf32, #tpu.memory_space<vmem>>
    %dma_wait3A_584 = tpu.memref_squeeze %dma_wait3A_583 : memref<1x128x128xf32, #tpu.memory_space<vmem>> -> memref<128x128xf32, #tpu.memory_space<vmem>>
    %dma_wait3A_585 = arith.constant 0 : i32
    %dma_wait3A_586 = tpu.memref_slice %arg5[%add3A_470, %dma_wait3A_585] : memref<32768x128xf32, #tpu.memory_space<hbm>> -> memref<128x128xf32, #tpu.memory_space<hbm>>
    %dma_wait3A_587 = arith.constant 0 : i32
    %dma_wait3A_588 = tpu.memref_slice %arg5[%add3A_470, %dma_wait3A_587] : memref<32768x128xf32, #tpu.memory_space<hbm>> -> memref<128x128xf32, #tpu.memory_space<hbm>>
    %dma_wait3A_589 = arith.constant 0 : i32
    %dma_wait3A_590 = arith.constant 0 : i32
    %dma_wait3A_591 = tpu.memref_slice %arg8[%dma_wait3A_580, %dma_wait3A_589, %dma_wait3A_590] : memref<7x128x128xf32, #tpu.memory_space<vmem>> -> memref<1x128x128xf32, #tpu.memory_space<vmem>>
    %dma_wait3A_592 = tpu.memref_squeeze %dma_wait3A_591 : memref<1x128x128xf32, #tpu.memory_space<vmem>> -> memref<128x128xf32, #tpu.memory_space<vmem>>
    tpu.wait_dma2 semaphore(%arg17 : memref<!tpu.dma_semaphore, #tpu.memory_space<semaphore_mem>>) src(%dma_wait3A_592 : memref<128x128xf32, #tpu.memory_space<vmem>>) dst(%dma_wait3A_588 : memref<128x128xf32, #tpu.memory_space<hbm>>)
    %dma_start3A_593 = arith.constant 1 : i32
    %dma_start3A_594 = arith.constant 0 : i32
    %dma_start3A_595 = arith.constant 0 : i32
    %dma_start3A_596 = tpu.memref_slice %arg8[%dma_start3A_593, %dma_start3A_594, %dma_start3A_595] : memref<7x128x128xf32, #tpu.memory_space<vmem>> -> memref<1x128x128xf32, #tpu.memory_space<vmem>>
    %dma_start3A_597 = tpu.memref_squeeze %dma_start3A_596 : memref<1x128x128xf32, #tpu.memory_space<vmem>> -> memref<128x128xf32, #tpu.memory_space<vmem>>
    %dma_start3A_598 = arith.constant 896 : i32
    %dma_start3A_599 = tpu.memref_slice %arg7[%dma_start3A_598] : memref<1024xi32, #tpu.memory_space<vmem>> -> memref<128xi32, #tpu.memory_space<vmem>>
    %dma_start3A_600 = arith.constant 0 : i32
    %dma_start3A_601 = arith.constant 0 : i32
    %dma_start3A_602 = tpu.memref_slice %arg3[%dma_start3A_600, %dma_start3A_601] : memref<8192x128xf32, #tpu.memory_space<hbm>> -> memref<8192x128xf32, #tpu.memory_space<hbm>>
    tpu.enqueue_indirect_dma source(%dma_start3A_602 : memref<8192x128xf32, #tpu.memory_space<hbm>>) target(%dma_start3A_597 : memref<128x128xf32, #tpu.memory_space<vmem>>) offsets(%dma_start3A_599 : memref<128xi32, #tpu.memory_space<vmem>>) semaphore(%arg10 : memref<!tpu.dma_semaphore, #tpu.memory_space<semaphore_mem>>)
    %dma_wait3A_603 = arith.constant 4 : i32
    %dma_wait3A_604 = arith.constant 0 : i32
    %dma_wait3A_605 = arith.constant 0 : i32
    %dma_wait3A_606 = tpu.memref_slice %arg8[%dma_wait3A_603, %dma_wait3A_604, %dma_wait3A_605] : memref<7x128x128xf32, #tpu.memory_space<vmem>> -> memref<1x128x128xf32, #tpu.memory_space<vmem>>
    %dma_wait3A_607 = tpu.memref_squeeze %dma_wait3A_606 : memref<1x128x128xf32, #tpu.memory_space<vmem>> -> memref<128x128xf32, #tpu.memory_space<vmem>>
    %dma_wait3A_608 = arith.constant 640 : i32
    %dma_wait3A_609 = tpu.memref_slice %arg7[%dma_wait3A_608] : memref<1024xi32, #tpu.memory_space<vmem>> -> memref<128xi32, #tpu.memory_space<vmem>>
    %dma_wait3A_610 = arith.constant 0 : i32
    %dma_wait3A_611 = arith.constant 0 : i32
    %dma_wait3A_612 = tpu.memref_slice %arg3[%dma_wait3A_610, %dma_wait3A_611] : memref<8192x128xf32, #tpu.memory_space<hbm>> -> memref<8192x128xf32, #tpu.memory_space<hbm>>
    tpu.wait_indirect_dma semaphore(%arg13 : memref<!tpu.dma_semaphore, #tpu.memory_space<semaphore_mem>>) src(%dma_wait3A_612 : memref<8192x128xf32, #tpu.memory_space<hbm>>) dst(%dma_wait3A_607 : memref<128x128xf32, #tpu.memory_space<vmem>>)
    %add3A_613 = arith.constant 640 : i32
    %add3A_614 = arith.addi %mul3A_2, %add3A_613 : i32
    %dma_start3A_615 = arith.constant 4 : i32
    %dma_start3A_616 = arith.constant 0 : i32
    %dma_start3A_617 = arith.constant 0 : i32
    %dma_start3A_618 = tpu.memref_slice %arg8[%dma_start3A_615, %dma_start3A_616, %dma_start3A_617] : memref<7x128x128xf32, #tpu.memory_space<vmem>> -> memref<1x128x128xf32, #tpu.memory_space<vmem>>
    %dma_start3A_619 = tpu.memref_squeeze %dma_start3A_618 : memref<1x128x128xf32, #tpu.memory_space<vmem>> -> memref<128x128xf32, #tpu.memory_space<vmem>>
    %dma_start3A_620 = arith.constant 0 : i32
    %dma_start3A_621 = tpu.memref_slice %arg6[%add3A_614, %dma_start3A_620] : memref<32768x128xf32, #tpu.memory_space<hbm>> -> memref<128x128xf32, #tpu.memory_space<hbm>>
    %dma_start3A_622 = arith.constant 0 : i32
    %dma_start3A_623 = tpu.memref_slice %arg6[%add3A_614, %dma_start3A_622] : memref<32768x128xf32, #tpu.memory_space<hbm>> -> memref<128x128xf32, #tpu.memory_space<hbm>>
    %dma_start3A_624 = arith.constant 0 : i32
    %dma_start3A_625 = arith.constant 0 : i32
    %dma_start3A_626 = tpu.memref_slice %arg8[%dma_start3A_615, %dma_start3A_624, %dma_start3A_625] : memref<7x128x128xf32, #tpu.memory_space<vmem>> -> memref<1x128x128xf32, #tpu.memory_space<vmem>>
    %dma_start3A_627 = tpu.memref_squeeze %dma_start3A_626 : memref<1x128x128xf32, #tpu.memory_space<vmem>> -> memref<128x128xf32, #tpu.memory_space<vmem>>
    tpu.enqueue_dma source(%dma_start3A_627 : memref<128x128xf32, #tpu.memory_space<vmem>>) target(%dma_start3A_623 : memref<128x128xf32, #tpu.memory_space<hbm>>) target_semaphore(%arg20 : memref<!tpu.dma_semaphore, #tpu.memory_space<semaphore_mem>>)
    %dma_wait3A_628 = arith.constant 5 : i32
    %dma_wait3A_629 = arith.constant 0 : i32
    %dma_wait3A_630 = arith.constant 0 : i32
    %dma_wait3A_631 = tpu.memref_slice %arg8[%dma_wait3A_628, %dma_wait3A_629, %dma_wait3A_630] : memref<7x128x128xf32, #tpu.memory_space<vmem>> -> memref<1x128x128xf32, #tpu.memory_space<vmem>>
    %dma_wait3A_632 = tpu.memref_squeeze %dma_wait3A_631 : memref<1x128x128xf32, #tpu.memory_space<vmem>> -> memref<128x128xf32, #tpu.memory_space<vmem>>
    %dma_wait3A_633 = arith.constant 768 : i32
    %dma_wait3A_634 = tpu.memref_slice %arg7[%dma_wait3A_633] : memref<1024xi32, #tpu.memory_space<vmem>> -> memref<128xi32, #tpu.memory_space<vmem>>
    %dma_wait3A_635 = arith.constant 0 : i32
    %dma_wait3A_636 = arith.constant 0 : i32
    %dma_wait3A_637 = tpu.memref_slice %arg2[%dma_wait3A_635, %dma_wait3A_636] : memref<8192x128xf32, #tpu.memory_space<hbm>> -> memref<8192x128xf32, #tpu.memory_space<hbm>>
    tpu.wait_indirect_dma semaphore(%arg14 : memref<!tpu.dma_semaphore, #tpu.memory_space<semaphore_mem>>) src(%dma_wait3A_637 : memref<8192x128xf32, #tpu.memory_space<hbm>>) dst(%dma_wait3A_632 : memref<128x128xf32, #tpu.memory_space<vmem>>)
    %add3A_638 = arith.constant 768 : i32
    %add3A_639 = arith.addi %mul3A_2, %add3A_638 : i32
    %dma_start3A_640 = arith.constant 5 : i32
    %dma_start3A_641 = arith.constant 0 : i32
    %dma_start3A_642 = arith.constant 0 : i32
    %dma_start3A_643 = tpu.memref_slice %arg8[%dma_start3A_640, %dma_start3A_641, %dma_start3A_642] : memref<7x128x128xf32, #tpu.memory_space<vmem>> -> memref<1x128x128xf32, #tpu.memory_space<vmem>>
    %dma_start3A_644 = tpu.memref_squeeze %dma_start3A_643 : memref<1x128x128xf32, #tpu.memory_space<vmem>> -> memref<128x128xf32, #tpu.memory_space<vmem>>
    %dma_start3A_645 = arith.constant 0 : i32
    %dma_start3A_646 = tpu.memref_slice %arg5[%add3A_639, %dma_start3A_645] : memref<32768x128xf32, #tpu.memory_space<hbm>> -> memref<128x128xf32, #tpu.memory_space<hbm>>
    %dma_start3A_647 = arith.constant 0 : i32
    %dma_start3A_648 = tpu.memref_slice %arg5[%add3A_639, %dma_start3A_647] : memref<32768x128xf32, #tpu.memory_space<hbm>> -> memref<128x128xf32, #tpu.memory_space<hbm>>
    %dma_start3A_649 = arith.constant 0 : i32
    %dma_start3A_650 = arith.constant 0 : i32
    %dma_start3A_651 = tpu.memref_slice %arg8[%dma_start3A_640, %dma_start3A_649, %dma_start3A_650] : memref<7x128x128xf32, #tpu.memory_space<vmem>> -> memref<1x128x128xf32, #tpu.memory_space<vmem>>
    %dma_start3A_652 = tpu.memref_squeeze %dma_start3A_651 : memref<1x128x128xf32, #tpu.memory_space<vmem>> -> memref<128x128xf32, #tpu.memory_space<vmem>>
    tpu.enqueue_dma source(%dma_start3A_652 : memref<128x128xf32, #tpu.memory_space<vmem>>) target(%dma_start3A_648 : memref<128x128xf32, #tpu.memory_space<hbm>>) target_semaphore(%arg21 : memref<!tpu.dma_semaphore, #tpu.memory_space<semaphore_mem>>)
    %dma_wait3A_653 = arith.constant 6 : i32
    %dma_wait3A_654 = arith.constant 0 : i32
    %dma_wait3A_655 = arith.constant 0 : i32
    %dma_wait3A_656 = tpu.memref_slice %arg8[%dma_wait3A_653, %dma_wait3A_654, %dma_wait3A_655] : memref<7x128x128xf32, #tpu.memory_space<vmem>> -> memref<1x128x128xf32, #tpu.memory_space<vmem>>
    %dma_wait3A_657 = tpu.memref_squeeze %dma_wait3A_656 : memref<1x128x128xf32, #tpu.memory_space<vmem>> -> memref<128x128xf32, #tpu.memory_space<vmem>>
    %dma_wait3A_658 = arith.constant 768 : i32
    %dma_wait3A_659 = tpu.memref_slice %arg7[%dma_wait3A_658] : memref<1024xi32, #tpu.memory_space<vmem>> -> memref<128xi32, #tpu.memory_space<vmem>>
    %dma_wait3A_660 = arith.constant 0 : i32
    %dma_wait3A_661 = arith.constant 0 : i32
    %dma_wait3A_662 = tpu.memref_slice %arg3[%dma_wait3A_660, %dma_wait3A_661] : memref<8192x128xf32, #tpu.memory_space<hbm>> -> memref<8192x128xf32, #tpu.memory_space<hbm>>
    tpu.wait_indirect_dma semaphore(%arg15 : memref<!tpu.dma_semaphore, #tpu.memory_space<semaphore_mem>>) src(%dma_wait3A_662 : memref<8192x128xf32, #tpu.memory_space<hbm>>) dst(%dma_wait3A_657 : memref<128x128xf32, #tpu.memory_space<vmem>>)
    %add3A_663 = arith.constant 768 : i32
    %add3A_664 = arith.addi %mul3A_2, %add3A_663 : i32
    %dma_start3A_665 = arith.constant 6 : i32
    %dma_start3A_666 = arith.constant 0 : i32
    %dma_start3A_667 = arith.constant 0 : i32
    %dma_start3A_668 = tpu.memref_slice %arg8[%dma_start3A_665, %dma_start3A_666, %dma_start3A_667] : memref<7x128x128xf32, #tpu.memory_space<vmem>> -> memref<1x128x128xf32, #tpu.memory_space<vmem>>
    %dma_start3A_669 = tpu.memref_squeeze %dma_start3A_668 : memref<1x128x128xf32, #tpu.memory_space<vmem>> -> memref<128x128xf32, #tpu.memory_space<vmem>>
    %dma_start3A_670 = arith.constant 0 : i32
    %dma_start3A_671 = tpu.memref_slice %arg6[%add3A_664, %dma_start3A_670] : memref<32768x128xf32, #tpu.memory_space<hbm>> -> memref<128x128xf32, #tpu.memory_space<hbm>>
    %dma_start3A_672 = arith.constant 0 : i32
    %dma_start3A_673 = tpu.memref_slice %arg6[%add3A_664, %dma_start3A_672] : memref<32768x128xf32, #tpu.memory_space<hbm>> -> memref<128x128xf32, #tpu.memory_space<hbm>>
    %dma_start3A_674 = arith.constant 0 : i32
    %dma_start3A_675 = arith.constant 0 : i32
    %dma_start3A_676 = tpu.memref_slice %arg8[%dma_start3A_665, %dma_start3A_674, %dma_start3A_675] : memref<7x128x128xf32, #tpu.memory_space<vmem>> -> memref<1x128x128xf32, #tpu.memory_space<vmem>>
    %dma_start3A_677 = tpu.memref_squeeze %dma_start3A_676 : memref<1x128x128xf32, #tpu.memory_space<vmem>> -> memref<128x128xf32, #tpu.memory_space<vmem>>
    tpu.enqueue_dma source(%dma_start3A_677 : memref<128x128xf32, #tpu.memory_space<vmem>>) target(%dma_start3A_673 : memref<128x128xf32, #tpu.memory_space<hbm>>) target_semaphore(%arg22 : memref<!tpu.dma_semaphore, #tpu.memory_space<semaphore_mem>>)
    %dma_wait3A_678 = arith.constant 0 : i32
    %dma_wait3A_679 = arith.constant 0 : i32
    %dma_wait3A_680 = arith.constant 0 : i32
    %dma_wait3A_681 = tpu.memref_slice %arg8[%dma_wait3A_678, %dma_wait3A_679, %dma_wait3A_680] : memref<7x128x128xf32, #tpu.memory_space<vmem>> -> memref<1x128x128xf32, #tpu.memory_space<vmem>>
    %dma_wait3A_682 = tpu.memref_squeeze %dma_wait3A_681 : memref<1x128x128xf32, #tpu.memory_space<vmem>> -> memref<128x128xf32, #tpu.memory_space<vmem>>
    %dma_wait3A_683 = arith.constant 896 : i32
    %dma_wait3A_684 = tpu.memref_slice %arg7[%dma_wait3A_683] : memref<1024xi32, #tpu.memory_space<vmem>> -> memref<128xi32, #tpu.memory_space<vmem>>
    %dma_wait3A_685 = arith.constant 0 : i32
    %dma_wait3A_686 = arith.constant 0 : i32
    %dma_wait3A_687 = tpu.memref_slice %arg2[%dma_wait3A_685, %dma_wait3A_686] : memref<8192x128xf32, #tpu.memory_space<hbm>> -> memref<8192x128xf32, #tpu.memory_space<hbm>>
    tpu.wait_indirect_dma semaphore(%arg9 : memref<!tpu.dma_semaphore, #tpu.memory_space<semaphore_mem>>) src(%dma_wait3A_687 : memref<8192x128xf32, #tpu.memory_space<hbm>>) dst(%dma_wait3A_682 : memref<128x128xf32, #tpu.memory_space<vmem>>)
    %add3A_688 = arith.constant 896 : i32
    %add3A_689 = arith.addi %mul3A_2, %add3A_688 : i32
    %dma_start3A_690 = arith.constant 0 : i32
    %dma_start3A_691 = arith.constant 0 : i32
    %dma_start3A_692 = arith.constant 0 : i32
    %dma_start3A_693 = tpu.memref_slice %arg8[%dma_start3A_690, %dma_start3A_691, %dma_start3A_692] : memref<7x128x128xf32, #tpu.memory_space<vmem>> -> memref<1x128x128xf32, #tpu.memory_space<vmem>>
    %dma_start3A_694 = tpu.memref_squeeze %dma_start3A_693 : memref<1x128x128xf32, #tpu.memory_space<vmem>> -> memref<128x128xf32, #tpu.memory_space<vmem>>
    %dma_start3A_695 = arith.constant 0 : i32
    %dma_start3A_696 = tpu.memref_slice %arg5[%add3A_689, %dma_start3A_695] : memref<32768x128xf32, #tpu.memory_space<hbm>> -> memref<128x128xf32, #tpu.memory_space<hbm>>
    %dma_start3A_697 = arith.constant 0 : i32
    %dma_start3A_698 = tpu.memref_slice %arg5[%add3A_689, %dma_start3A_697] : memref<32768x128xf32, #tpu.memory_space<hbm>> -> memref<128x128xf32, #tpu.memory_space<hbm>>
    %dma_start3A_699 = arith.constant 0 : i32
    %dma_start3A_700 = arith.constant 0 : i32
    %dma_start3A_701 = tpu.memref_slice %arg8[%dma_start3A_690, %dma_start3A_699, %dma_start3A_700] : memref<7x128x128xf32, #tpu.memory_space<vmem>> -> memref<1x128x128xf32, #tpu.memory_space<vmem>>
    %dma_start3A_702 = tpu.memref_squeeze %dma_start3A_701 : memref<1x128x128xf32, #tpu.memory_space<vmem>> -> memref<128x128xf32, #tpu.memory_space<vmem>>
    tpu.enqueue_dma source(%dma_start3A_702 : memref<128x128xf32, #tpu.memory_space<vmem>>) target(%dma_start3A_698 : memref<128x128xf32, #tpu.memory_space<hbm>>) target_semaphore(%arg16 : memref<!tpu.dma_semaphore, #tpu.memory_space<semaphore_mem>>)
    %dma_wait3A_703 = arith.constant 1 : i32
    %dma_wait3A_704 = arith.constant 0 : i32
    %dma_wait3A_705 = arith.constant 0 : i32
    %dma_wait3A_706 = tpu.memref_slice %arg8[%dma_wait3A_703, %dma_wait3A_704, %dma_wait3A_705] : memref<7x128x128xf32, #tpu.memory_space<vmem>> -> memref<1x128x128xf32, #tpu.memory_space<vmem>>
    %dma_wait3A_707 = tpu.memref_squeeze %dma_wait3A_706 : memref<1x128x128xf32, #tpu.memory_space<vmem>> -> memref<128x128xf32, #tpu.memory_space<vmem>>
    %dma_wait3A_708 = arith.constant 896 : i32
    %dma_wait3A_709 = tpu.memref_slice %arg7[%dma_wait3A_708] : memref<1024xi32, #tpu.memory_space<vmem>> -> memref<128xi32, #tpu.memory_space<vmem>>
    %dma_wait3A_710 = arith.constant 0 : i32
    %dma_wait3A_711 = arith.constant 0 : i32
    %dma_wait3A_712 = tpu.memref_slice %arg3[%dma_wait3A_710, %dma_wait3A_711] : memref<8192x128xf32, #tpu.memory_space<hbm>> -> memref<8192x128xf32, #tpu.memory_space<hbm>>
    tpu.wait_indirect_dma semaphore(%arg10 : memref<!tpu.dma_semaphore, #tpu.memory_space<semaphore_mem>>) src(%dma_wait3A_712 : memref<8192x128xf32, #tpu.memory_space<hbm>>) dst(%dma_wait3A_707 : memref<128x128xf32, #tpu.memory_space<vmem>>)
    %add3A_713 = arith.constant 896 : i32
    %add3A_714 = arith.addi %mul3A_2, %add3A_713 : i32
    %dma_start3A_715 = arith.constant 1 : i32
    %dma_start3A_716 = arith.constant 0 : i32
    %dma_start3A_717 = arith.constant 0 : i32
    %dma_start3A_718 = tpu.memref_slice %arg8[%dma_start3A_715, %dma_start3A_716, %dma_start3A_717] : memref<7x128x128xf32, #tpu.memory_space<vmem>> -> memref<1x128x128xf32, #tpu.memory_space<vmem>>
    %dma_start3A_719 = tpu.memref_squeeze %dma_start3A_718 : memref<1x128x128xf32, #tpu.memory_space<vmem>> -> memref<128x128xf32, #tpu.memory_space<vmem>>
    %dma_start3A_720 = arith.constant 0 : i32
    %dma_start3A_721 = tpu.memref_slice %arg6[%add3A_714, %dma_start3A_720] : memref<32768x128xf32, #tpu.memory_space<hbm>> -> memref<128x128xf32, #tpu.memory_space<hbm>>
    %dma_start3A_722 = arith.constant 0 : i32
    %dma_start3A_723 = tpu.memref_slice %arg6[%add3A_714, %dma_start3A_722] : memref<32768x128xf32, #tpu.memory_space<hbm>> -> memref<128x128xf32, #tpu.memory_space<hbm>>
    %dma_start3A_724 = arith.constant 0 : i32
    %dma_start3A_725 = arith.constant 0 : i32
    %dma_start3A_726 = tpu.memref_slice %arg8[%dma_start3A_715, %dma_start3A_724, %dma_start3A_725] : memref<7x128x128xf32, #tpu.memory_space<vmem>> -> memref<1x128x128xf32, #tpu.memory_space<vmem>>
    %dma_start3A_727 = tpu.memref_squeeze %dma_start3A_726 : memref<1x128x128xf32, #tpu.memory_space<vmem>> -> memref<128x128xf32, #tpu.memory_space<vmem>>
    tpu.enqueue_dma source(%dma_start3A_727 : memref<128x128xf32, #tpu.memory_space<vmem>>) target(%dma_start3A_723 : memref<128x128xf32, #tpu.memory_space<hbm>>) target_semaphore(%arg17 : memref<!tpu.dma_semaphore, #tpu.memory_space<semaphore_mem>>)
    %dma_wait3A_728 = arith.constant 0 : i32
    %dma_wait3A_729 = arith.constant 0 : i32
    %dma_wait3A_730 = arith.constant 0 : i32
    %dma_wait3A_731 = tpu.memref_slice %arg8[%dma_wait3A_728, %dma_wait3A_729, %dma_wait3A_730] : memref<7x128x128xf32, #tpu.memory_space<vmem>> -> memref<1x128x128xf32, #tpu.memory_space<vmem>>
    %dma_wait3A_732 = tpu.memref_squeeze %dma_wait3A_731 : memref<1x128x128xf32, #tpu.memory_space<vmem>> -> memref<128x128xf32, #tpu.memory_space<vmem>>
    %dma_wait3A_733 = arith.constant 0 : i32
    %dma_wait3A_734 = tpu.memref_slice %arg5[%add3A_689, %dma_wait3A_733] : memref<32768x128xf32, #tpu.memory_space<hbm>> -> memref<128x128xf32, #tpu.memory_space<hbm>>
    %dma_wait3A_735 = arith.constant 0 : i32
    %dma_wait3A_736 = tpu.memref_slice %arg5[%add3A_689, %dma_wait3A_735] : memref<32768x128xf32, #tpu.memory_space<hbm>> -> memref<128x128xf32, #tpu.memory_space<hbm>>
    %dma_wait3A_737 = arith.constant 0 : i32
    %dma_wait3A_738 = arith.constant 0 : i32
    %dma_wait3A_739 = tpu.memref_slice %arg8[%dma_wait3A_728, %dma_wait3A_737, %dma_wait3A_738] : memref<7x128x128xf32, #tpu.memory_space<vmem>> -> memref<1x128x128xf32, #tpu.memory_space<vmem>>
    %dma_wait3A_740 = tpu.memref_squeeze %dma_wait3A_739 : memref<1x128x128xf32, #tpu.memory_space<vmem>> -> memref<128x128xf32, #tpu.memory_space<vmem>>
    tpu.wait_dma2 semaphore(%arg16 : memref<!tpu.dma_semaphore, #tpu.memory_space<semaphore_mem>>) src(%dma_wait3A_740 : memref<128x128xf32, #tpu.memory_space<vmem>>) dst(%dma_wait3A_736 : memref<128x128xf32, #tpu.memory_space<hbm>>)
    %dma_wait3A_741 = arith.constant 1 : i32
    %dma_wait3A_742 = arith.constant 0 : i32
    %dma_wait3A_743 = arith.constant 0 : i32
    %dma_wait3A_744 = tpu.memref_slice %arg8[%dma_wait3A_741, %dma_wait3A_742, %dma_wait3A_743] : memref<7x128x128xf32, #tpu.memory_space<vmem>> -> memref<1x128x128xf32, #tpu.memory_space<vmem>>
    %dma_wait3A_745 = tpu.memref_squeeze %dma_wait3A_744 : memref<1x128x128xf32, #tpu.memory_space<vmem>> -> memref<128x128xf32, #tpu.memory_space<vmem>>
    %dma_wait3A_746 = arith.constant 0 : i32
    %dma_wait3A_747 = tpu.memref_slice %arg6[%add3A_714, %dma_wait3A_746] : memref<32768x128xf32, #tpu.memory_space<hbm>> -> memref<128x128xf32, #tpu.memory_space<hbm>>
    %dma_wait3A_748 = arith.constant 0 : i32
    %dma_wait3A_749 = tpu.memref_slice %arg6[%add3A_714, %dma_wait3A_748] : memref<32768x128xf32, #tpu.memory_space<hbm>> -> memref<128x128xf32, #tpu.memory_space<hbm>>
    %dma_wait3A_750 = arith.constant 0 : i32
    %dma_wait3A_751 = arith.constant 0 : i32
    %dma_wait3A_752 = tpu.memref_slice %arg8[%dma_wait3A_741, %dma_wait3A_750, %dma_wait3A_751] : memref<7x128x128xf32, #tpu.memory_space<vmem>> -> memref<1x128x128xf32, #tpu.memory_space<vmem>>
    %dma_wait3A_753 = tpu.memref_squeeze %dma_wait3A_752 : memref<1x128x128xf32, #tpu.memory_space<vmem>> -> memref<128x128xf32, #tpu.memory_space<vmem>>
    tpu.wait_dma2 semaphore(%arg17 : memref<!tpu.dma_semaphore, #tpu.memory_space<semaphore_mem>>) src(%dma_wait3A_753 : memref<128x128xf32, #tpu.memory_space<vmem>>) dst(%dma_wait3A_749 : memref<128x128xf32, #tpu.memory_space<hbm>>)
    %dma_wait3A_754 = arith.constant 2 : i32
    %dma_wait3A_755 = arith.constant 0 : i32
    %dma_wait3A_756 = arith.constant 0 : i32
    %dma_wait3A_757 = tpu.memref_slice %arg8[%dma_wait3A_754, %dma_wait3A_755, %dma_wait3A_756] : memref<7x128x128xf32, #tpu.memory_space<vmem>> -> memref<1x128x128xf32, #tpu.memory_space<vmem>>
    %dma_wait3A_758 = tpu.memref_squeeze %dma_wait3A_757 : memref<1x128x128xf32, #tpu.memory_space<vmem>> -> memref<128x128xf32, #tpu.memory_space<vmem>>
    %dma_wait3A_759 = arith.constant 0 : i32
    %dma_wait3A_760 = tpu.memref_slice %arg6[%add3A_518, %dma_wait3A_759] : memref<32768x128xf32, #tpu.memory_space<hbm>> -> memref<128x128xf32, #tpu.memory_space<hbm>>
    %dma_wait3A_761 = arith.constant 0 : i32
    %dma_wait3A_762 = tpu.memref_slice %arg6[%add3A_518, %dma_wait3A_761] : memref<32768x128xf32, #tpu.memory_space<hbm>> -> memref<128x128xf32, #tpu.memory_space<hbm>>
    %dma_wait3A_763 = arith.constant 0 : i32
    %dma_wait3A_764 = arith.constant 0 : i32
    %dma_wait3A_765 = tpu.memref_slice %arg8[%dma_wait3A_754, %dma_wait3A_763, %dma_wait3A_764] : memref<7x128x128xf32, #tpu.memory_space<vmem>> -> memref<1x128x128xf32, #tpu.memory_space<vmem>>
    %dma_wait3A_766 = tpu.memref_squeeze %dma_wait3A_765 : memref<1x128x128xf32, #tpu.memory_space<vmem>> -> memref<128x128xf32, #tpu.memory_space<vmem>>
    tpu.wait_dma2 semaphore(%arg18 : memref<!tpu.dma_semaphore, #tpu.memory_space<semaphore_mem>>) src(%dma_wait3A_766 : memref<128x128xf32, #tpu.memory_space<vmem>>) dst(%dma_wait3A_762 : memref<128x128xf32, #tpu.memory_space<hbm>>)
    %dma_wait3A_767 = arith.constant 3 : i32
    %dma_wait3A_768 = arith.constant 0 : i32
    %dma_wait3A_769 = arith.constant 0 : i32
    %dma_wait3A_770 = tpu.memref_slice %arg8[%dma_wait3A_767, %dma_wait3A_768, %dma_wait3A_769] : memref<7x128x128xf32, #tpu.memory_space<vmem>> -> memref<1x128x128xf32, #tpu.memory_space<vmem>>
    %dma_wait3A_771 = tpu.memref_squeeze %dma_wait3A_770 : memref<1x128x128xf32, #tpu.memory_space<vmem>> -> memref<128x128xf32, #tpu.memory_space<vmem>>
    %dma_wait3A_772 = arith.constant 0 : i32
    %dma_wait3A_773 = tpu.memref_slice %arg5[%add3A_566, %dma_wait3A_772] : memref<32768x128xf32, #tpu.memory_space<hbm>> -> memref<128x128xf32, #tpu.memory_space<hbm>>
    %dma_wait3A_774 = arith.constant 0 : i32
    %dma_wait3A_775 = tpu.memref_slice %arg5[%add3A_566, %dma_wait3A_774] : memref<32768x128xf32, #tpu.memory_space<hbm>> -> memref<128x128xf32, #tpu.memory_space<hbm>>
    %dma_wait3A_776 = arith.constant 0 : i32
    %dma_wait3A_777 = arith.constant 0 : i32
    %dma_wait3A_778 = tpu.memref_slice %arg8[%dma_wait3A_767, %dma_wait3A_776, %dma_wait3A_777] : memref<7x128x128xf32, #tpu.memory_space<vmem>> -> memref<1x128x128xf32, #tpu.memory_space<vmem>>
    %dma_wait3A_779 = tpu.memref_squeeze %dma_wait3A_778 : memref<1x128x128xf32, #tpu.memory_space<vmem>> -> memref<128x128xf32, #tpu.memory_space<vmem>>
    tpu.wait_dma2 semaphore(%arg19 : memref<!tpu.dma_semaphore, #tpu.memory_space<semaphore_mem>>) src(%dma_wait3A_779 : memref<128x128xf32, #tpu.memory_space<vmem>>) dst(%dma_wait3A_775 : memref<128x128xf32, #tpu.memory_space<hbm>>)
    %dma_wait3A_780 = arith.constant 4 : i32
    %dma_wait3A_781 = arith.constant 0 : i32
    %dma_wait3A_782 = arith.constant 0 : i32
    %dma_wait3A_783 = tpu.memref_slice %arg8[%dma_wait3A_780, %dma_wait3A_781, %dma_wait3A_782] : memref<7x128x128xf32, #tpu.memory_space<vmem>> -> memref<1x128x128xf32, #tpu.memory_space<vmem>>
    %dma_wait3A_784 = tpu.memref_squeeze %dma_wait3A_783 : memref<1x128x128xf32, #tpu.memory_space<vmem>> -> memref<128x128xf32, #tpu.memory_space<vmem>>
    %dma_wait3A_785 = arith.constant 0 : i32
    %dma_wait3A_786 = tpu.memref_slice %arg6[%add3A_614, %dma_wait3A_785] : memref<32768x128xf32, #tpu.memory_space<hbm>> -> memref<128x128xf32, #tpu.memory_space<hbm>>
    %dma_wait3A_787 = arith.constant 0 : i32
    %dma_wait3A_788 = tpu.memref_slice %arg6[%add3A_614, %dma_wait3A_787] : memref<32768x128xf32, #tpu.memory_space<hbm>> -> memref<128x128xf32, #tpu.memory_space<hbm>>
    %dma_wait3A_789 = arith.constant 0 : i32
    %dma_wait3A_790 = arith.constant 0 : i32
    %dma_wait3A_791 = tpu.memref_slice %arg8[%dma_wait3A_780, %dma_wait3A_789, %dma_wait3A_790] : memref<7x128x128xf32, #tpu.memory_space<vmem>> -> memref<1x128x128xf32, #tpu.memory_space<vmem>>
    %dma_wait3A_792 = tpu.memref_squeeze %dma_wait3A_791 : memref<1x128x128xf32, #tpu.memory_space<vmem>> -> memref<128x128xf32, #tpu.memory_space<vmem>>
    tpu.wait_dma2 semaphore(%arg20 : memref<!tpu.dma_semaphore, #tpu.memory_space<semaphore_mem>>) src(%dma_wait3A_792 : memref<128x128xf32, #tpu.memory_space<vmem>>) dst(%dma_wait3A_788 : memref<128x128xf32, #tpu.memory_space<hbm>>)
    %dma_wait3A_793 = arith.constant 5 : i32
    %dma_wait3A_794 = arith.constant 0 : i32
    %dma_wait3A_795 = arith.constant 0 : i32
    %dma_wait3A_796 = tpu.memref_slice %arg8[%dma_wait3A_793, %dma_wait3A_794, %dma_wait3A_795] : memref<7x128x128xf32, #tpu.memory_space<vmem>> -> memref<1x128x128xf32, #tpu.memory_space<vmem>>
    %dma_wait3A_797 = tpu.memref_squeeze %dma_wait3A_796 : memref<1x128x128xf32, #tpu.memory_space<vmem>> -> memref<128x128xf32, #tpu.memory_space<vmem>>
    %dma_wait3A_798 = arith.constant 0 : i32
    %dma_wait3A_799 = tpu.memref_slice %arg5[%add3A_639, %dma_wait3A_798] : memref<32768x128xf32, #tpu.memory_space<hbm>> -> memref<128x128xf32, #tpu.memory_space<hbm>>
    %dma_wait3A_800 = arith.constant 0 : i32
    %dma_wait3A_801 = tpu.memref_slice %arg5[%add3A_639, %dma_wait3A_800] : memref<32768x128xf32, #tpu.memory_space<hbm>> -> memref<128x128xf32, #tpu.memory_space<hbm>>
    %dma_wait3A_802 = arith.constant 0 : i32
    %dma_wait3A_803 = arith.constant 0 : i32
    %dma_wait3A_804 = tpu.memref_slice %arg8[%dma_wait3A_793, %dma_wait3A_802, %dma_wait3A_803] : memref<7x128x128xf32, #tpu.memory_space<vmem>> -> memref<1x128x128xf32, #tpu.memory_space<vmem>>
    %dma_wait3A_805 = tpu.memref_squeeze %dma_wait3A_804 : memref<1x128x128xf32, #tpu.memory_space<vmem>> -> memref<128x128xf32, #tpu.memory_space<vmem>>
    tpu.wait_dma2 semaphore(%arg21 : memref<!tpu.dma_semaphore, #tpu.memory_space<semaphore_mem>>) src(%dma_wait3A_805 : memref<128x128xf32, #tpu.memory_space<vmem>>) dst(%dma_wait3A_801 : memref<128x128xf32, #tpu.memory_space<hbm>>)
    %dma_wait3A_806 = arith.constant 6 : i32
    %dma_wait3A_807 = arith.constant 0 : i32
    %dma_wait3A_808 = arith.constant 0 : i32
    %dma_wait3A_809 = tpu.memref_slice %arg8[%dma_wait3A_806, %dma_wait3A_807, %dma_wait3A_808] : memref<7x128x128xf32, #tpu.memory_space<vmem>> -> memref<1x128x128xf32, #tpu.memory_space<vmem>>
    %dma_wait3A_810 = tpu.memref_squeeze %dma_wait3A_809 : memref<1x128x128xf32, #tpu.memory_space<vmem>> -> memref<128x128xf32, #tpu.memory_space<vmem>>
    %dma_wait3A_811 = arith.constant 0 : i32
    %dma_wait3A_812 = tpu.memref_slice %arg6[%add3A_664, %dma_wait3A_811] : memref<32768x128xf32, #tpu.memory_space<hbm>> -> memref<128x128xf32, #tpu.memory_space<hbm>>
    %dma_wait3A_813 = arith.constant 0 : i32
    %dma_wait3A_814 = tpu.memref_slice %arg6[%add3A_664, %dma_wait3A_813] : memref<32768x128xf32, #tpu.memory_space<hbm>> -> memref<128x128xf32, #tpu.memory_space<hbm>>
    %dma_wait3A_815 = arith.constant 0 : i32
    %dma_wait3A_816 = arith.constant 0 : i32
    %dma_wait3A_817 = tpu.memref_slice %arg8[%dma_wait3A_806, %dma_wait3A_815, %dma_wait3A_816] : memref<7x128x128xf32, #tpu.memory_space<vmem>> -> memref<1x128x128xf32, #tpu.memory_space<vmem>>
    %dma_wait3A_818 = tpu.memref_squeeze %dma_wait3A_817 : memref<1x128x128xf32, #tpu.memory_space<vmem>> -> memref<128x128xf32, #tpu.memory_space<vmem>>
    tpu.wait_dma2 semaphore(%arg22 : memref<!tpu.dma_semaphore, #tpu.memory_space<semaphore_mem>>) src(%dma_wait3A_818 : memref<128x128xf32, #tpu.memory_space<vmem>>) dst(%dma_wait3A_814 : memref<128x128xf32, #tpu.memory_space<hbm>>)
    return
  }
}

</mosaic_0001>

<sc_bundles>
// kernel: kernel.3.cloned.1.call-start
scs
__scs_entry_jumppad:
0x0: {  	(pc) =	sbr.rel $0x88, $3  }
0x1: {  	(tag) =	ssettag $0x0;
	lr =	simm.s32 $0x1  }
0x2: {  	[smem:$0x3F9E] =	sst lr;
	_ =	strace $0xD0000000  }
0x3: {  	_ = 	snop  }
0x4: {  	_ = 	snop  }
0x5: {  	_ = 	snop  }
0x6: {  	_ = 	snop  }
0x7: {  	_ = 	snop  }
__scs_overlays_trampoline_lowered:
0x8: {  	[smem:$0x3FAD] =	sst s0  }
0x9: {  	[smem:$0x3FAE] =	sst s1  }
0xa: {  	[smem:$0x3FAF] =	sst s2  }
0xb: {  	[smem:$0x3FB0] =	sst s3  }
0xc: {  	[smem:$0x3FB1] =	sst s4  }
0xd: {  	[smem:$0x3FB2] =	sst s5  }
0xe: {  	[smem:$0x3FB3] =	sst s6  }
0xf: {  	[smem:$0x3FB4] =	sst s7  }
0x10: {  	[smem:$0x3FB5] =	sst s8  }
0x11: {  	[smem:$0x3FB6] =	sst s9;
	s0 =	simm.s32 @!p0 $0x0  }
0x12: {  	s1 =	sld [smem:$0x3F9C];
	s0 =	simm.s32 @p0 $0x1  }
0x13: {  	[smem:$0x3FB7] =	sst s0;
	s0 =	simm.s32 @!p1 $0x0  }
0x14: {  	s2 =	sld [smem:$0x3F9B];
	s0 =	simm.s32 @p1 $0x1  }
0x15: {  	[smem:$0x3FB8] =	sst s0;
	s0 =	simm.s32 @!p2 $0x0  }
0x16: {  	s3 =	sld [smem:$0x3FDB];
	s0 =	simm.s32 @p2 $0x1  }
0x17: {  	s4 =	simm.s32 $0x1BF5;
	[smem:$0x3FBA] =	sst s0  }
0x18: {  	s0 =	sld [smem:$0x3F9D];
	_ =	swait.ge [sflag:s4], $0x0  }
0x19: {  	s7 =	sld [smem:$0x3F9E]  }
0x1a: {  	s8 =	sadd.s32 $0xFFFFE003, lr  }
0x1b: {  	s9 =	sadd.s32 $0xFFFFFEF7, lr;
	s5 =	simm.s32 $0xFFFFFFFF;
	p2 =	slt.u32 s8, $0xFFFFF086  }
0x1c: {  	p1 =	slt.u32 s9, $0xF7A;
	s5 =	simm.s32 @!p2 $0x0  }
0x1d: {  	s5 =	simm.s32 @p1 $0x1;
	p0 =	seq.s32 s7, s2  }
0x1e: {  	s7 =	smul.u32 @!p0 $0xF7A, s2;
	p2 =	seq.s32 @!p0 s5, $0x0  }
0x1f: {  	s9 =	smul.u32 $0xF7A, s1;
	s8 =	simm.s32 @!p0 $0x1BF5;
	p2 =	por !p2, p0  }
0x20: {  	[sflag:s8] =	ssyncset.s32 @!p0 $0xFFFFF086;
	s6 =	sadd.s32 @!p0 s3, s7;
	s7 =	simm.s32 @!p0 $0x108  }
0x21: {  	s3 =	sadd.s32 s3, s9;
	s6 =	sadd.s32 @!p0 $0x88, s6;
	s7 =	simm.s32 @p2 $0x1082  }
0x22: {  	[simem:s7], [sflag:s8] =	dma.local @!p0 [hbm:s6], $0xF7A  }
0x23: {  	s9 =	sor.u32 $0xD0000000, s2;
	s6 =	simm.s32 $0x108;
	_ =	swait.ge @!p0 [sflag:s8], $0x0  }
0x24: {  	s3 =	sadd.s32 $0x88, s3;
	s6 =	simm.s32 @!p1 $0x1082;
	[sflag:s4] =	ssyncset.s32 $0xFFFFF086  }
0x25: {  	[simem:s6], [sflag:s4] =	dma.local [hbm:s3], $0xF7A  }
0x26: {  	[smem:$0x3F9E] =	sst s1;
	(tag) =	ssettag s2;
	_ =	strace s9  }
0x27: {  	s1 =	sld [smem:$0x3FAE]  }
0x28: {  	s2 =	sld [smem:$0x3FAF]  }
0x29: {  	s4 =	sld [smem:$0x3FB1]  }
0x2a: {  	p0 =	seq.s32 s5, $0x0;
	s5 =	sld [smem:$0x3FB2]  }
0x2b: {  	s6 =	sld [smem:$0x3FB3]  }
0x2c: {  	s7 =	sld [smem:$0x3FB4]  }
0x2d: {  	s3 =	simm.s32 $0x108;
	s8 =	sld [smem:$0x3FB5]  }
0x2e: {  	s3 =	simm.s32 @!p0 $0x1082;
	s9 =	sld [smem:$0x3FB6]  }
0x2f: {  	lr =	sadd.s32 s0, s3;
	s0 =	sld [smem:$0x3FAD]  }
0x30: {  	s3 =	sld [smem:$0x3FB0]  }
0x31: {  	[smem:$0x3FB9] =	sst s10  }
0x32: {  	s10 =	sld [smem:$0x3FB7];
	_ =	sdelay $0x3  }
0x33: {  	p0 =	seq.s32 s10, $0x1;
	s10 =	sld [smem:$0x3FB9];
	_ =	sdelay $0x3  }
0x34: {  	[smem:$0x3FB9] =	sst s10  }
0x35: {  	s10 =	sld [smem:$0x3FB8];
	_ =	sdelay $0x3  }
0x36: {  	p1 =	seq.s32 s10, $0x1;
	s10 =	sld [smem:$0x3FB9];
	_ =	sdelay $0x3  }
0x37: {  	[smem:$0x3FB9] =	sst s10  }
0x38: {  	s10 =	sld [smem:$0x3FBA]  }
0x39: {  	_ = 	snop;
	(pc) =	sbr.ind lr, $3  }
0x3a: {  	_ = 	snop  }
0x3b: {  	_ = 	snop  }
0x3c: {  	p2 =	seq.s32 s10, $0x1;
	s10 =	sld [smem:$0x3FB9]  }
0x3d: {  	_ =	shalt  }
0x3e: {  	_ =	shalt  }
0x3f: {  	_ =	shalt  }
0x40: {  	_ =	shalt  }
0x41: {  	_ =	shalt  }
0x42: {  	_ =	shalt  }
0x43: {  	_ =	shalt  }
0x44: {  	_ =	shalt  }
0x45: {  	_ =	shalt  }
0x46: {  	_ =	shalt  }
0x47: {  	_ =	shalt  }
0x48: {  	_ =	shalt  }
0x49: {  	_ =	shalt  }
0x4a: {  	_ =	shalt  }
0x4b: {  	_ =	shalt  }
0x4c: {  	_ =	shalt  }
0x4d: {  	_ =	shalt  }
0x4e: {  	_ =	shalt  }
0x4f: {  	_ =	shalt  }
0x50: {  	_ =	shalt  }
0x51: {  	_ =	shalt  }
0x52: {  	_ =	shalt  }
0x53: {  	_ =	shalt  }
0x54: {  	_ =	shalt  }
0x55: {  	_ =	shalt  }
0x56: {  	_ =	shalt  }
0x57: {  	_ =	shalt  }
0x58: {  	_ =	shalt  }
0x59: {  	_ =	shalt  }
0x5a: {  	_ =	shalt  }
0x5b: {  	_ =	shalt  }
0x5c: {  	_ =	shalt  }
0x5d: {  	_ =	shalt  }
0x5e: {  	_ =	shalt  }
0x5f: {  	_ =	shalt  }
0x60: {  	_ =	shalt  }
0x61: {  	_ =	shalt  }
0x62: {  	_ =	shalt  }
0x63: {  	_ =	shalt  }
0x64: {  	_ =	shalt  }
0x65: {  	_ =	shalt  }
0x66: {  	_ =	shalt  }
0x67: {  	_ =	shalt  }
0x68: {  	_ =	shalt  }
0x69: {  	_ =	shalt  }
0x6a: {  	_ =	shalt  }
0x6b: {  	_ =	shalt  }
0x6c: {  	_ =	shalt  }
0x6d: {  	_ =	shalt  }
0x6e: {  	_ =	shalt  }
0x6f: {  	_ =	shalt  }
0x70: {  	_ =	shalt  }
0x71: {  	_ =	shalt  }
0x72: {  	_ =	shalt  }
0x73: {  	_ =	shalt  }
0x74: {  	_ =	shalt  }
0x75: {  	_ =	shalt  }
0x76: {  	_ =	shalt  }
0x77: {  	_ =	shalt  }
0x78: {  	_ =	shalt  }
0x79: {  	_ =	shalt  }
0x7a: {  	_ =	shalt  }
0x7b: {  	_ =	shalt  }
0x7c: {  	_ =	shalt  }
0x7d: {  	_ =	shalt  }
0x7e: {  	_ =	shalt  }
0x7f: {  	_ =	shalt  }
0x80: {  	_ =	shalt  }
0x81: {  	_ =	shalt  }
0x82: {  	_ =	shalt  }
0x83: {  	_ =	shalt  }
0x84: {  	_ =	shalt  }
0x85: {  	_ =	shalt  }
0x86: {  	_ =	shalt  }
0x87: {  	_ =	shalt  }
.Lfunc_end0:
.L_simem_size_0:
called_computation_lowered:
.L_overlay_start_0:
0x88: {  	s2 =	sld [smem:$0x3FD9]  }
0x89: {  	s3 =	sld [smem:$0x3FFE];
	_ =	sdelay $0x1  }
0x8a: {  	s1 =	srdreg.scid  }
0x8b: {  	s0 =	sand.u32 $0x1, s1  }
0x8c: {  	s15 =	sshll.u32 s0, $0xA;
	s2 =	sadd.s32 s3, s2  }
0x8d: {  	s2 =	sadd.s32 s2, s15  }
0x8e: {  	[smem:$0x3FC5] =	sst s2  }
0x8f: {  	_ = 	snop  }
0x90: {  	s2 =	sld [smem:$0x3FD0]  }
0x91: {  	s16 =	sld [smem:$0x3FC9]  }
0x92: {  	s4 =	sld [smem:$0x3FC8]  }
0x93: {  	s6 =	simm.s32 $0xA;
	s7 =	simm.s32 $0x10;
	s5 =	sld [smem:$0x3FC7]  }
0x94: {  	[smem:s7], [sflag:s6] =	dma.local [hbm:s2], $0x1  }
0x95: {  	_ =	swait.eq [sflag:s6], $0x1  }
0x96: {  	[sflag:s6] =	ssyncset.done $0x0  }
0x97: {  	s17 =	sld [smem:$0x10];
	[sflag:s6] =	ssyncadd.s32 $0xFFFFFFFF  }
0x98: {  	s18 =	sld [smem:$0x11];
	(tm) =	ssettm $0x1  }
0x99: {  	s19 =	sld [smem:$0x3FFB];
	_ =	sdelay $0x3  }
0x9a: {  	_ =	strace s19  }
0x9b: {  	s7 =	sld [smem:$0x3FFC];
	_ =	sdelay $0x3  }
0x9c: {  	_ =	strace s7  }
0x9d: {  	s7 =	sld [smem:$0x3FFD];
	_ =	sdelay $0x3  }
0x9e: {  	_ =	strace s7  }
0x9f: {  	_ =	strace $0x8FFFFFFF  }
0xa0: {  	s20 =	sld [smem:$0x3FDB];
	_ =	sdelay $0x1  }
0xa1: {  	s8 =	simm.s32 $_scs_section_size  }
0xa2: {  	s9 =	simm.s32 $_size__tile_overlayer_lowered;
	s10 =	simm.s32 $_tile_overlayer_lowered  }
0xa3: {  	s23 =	simm.s32 $0x1BFF;
	s22 =	sshll.u32 s10, $0x1;
	s7 =	sadd.s32 s8, s20  }
0xa4: {  	s11 =	simm.s32 $0x0;
	s21 =	sshll.u32 s9, $0x1;
	s9 =	sadd.s32 s22, s7  }
0xa5: {  	[timem:s11], [sflag:s23] =	dma.local [hbm:s9], s21  }
0xa6: {  	_ =	swait.ge [sflag:s23], s21  }
0xa7: {  	s8 =	ssub.s32 $0x0, s21;
	[sflag:s23] =	ssyncset.done $0x0  }
0xa8: {  	[sflag:s23] =	ssyncadd.s32 s8;
	_ =	sdelay $0x1  }
0xa9: {  	s24 =	simm.s32 $0x1B8B  }
0xaa: {  	_ =	swait.ge [sflag:s24], $0x1  }
0xab: {  	[sflag:s24] =	ssyncset.done $0x0  }
0xac: {  	s25 =	simm.s32 $0x1B8E;
	[sflag:s24] =	ssyncadd.s32 $0xFFFFFFFF  }
0xad: {  	s26 =	simm.s32 $execute0_lowered;
	[smem:$0x3FD2] =	sst s25  }
0xae: {  	s8 =	sshll.u32 s26, $0x1;
	_ =	strace $0x80000046;
	[dreg:$0x1] =	wrdreg $0xFFFFFFFF  }
0xaf: {  	s28 =	simm.s32 $_size_execute0_lowered;
	s7 =	sadd.s32 s7, s8;
	[dreg:$0x0] =	wrdreg $0x0  }
0xb0: {  	s8 =	sshll.u32 s28, $0x1;
	[dreg:$0x2] =	wrdreg s7  }
0xb1: {  	[dreg:$0x3] =	wrdreg s8  }
0xb2: {  	[dreg:$0x4] =	wrdreg $0xC0  }
0xb3: {  	_ =	task [dreg:s11], $0x5FFFF  }
0xb4: {  	[dreg:$0x1] =	wrdreg $0xFFFFFFFF  }
0xb5: {  	[dreg:$0x0] =	wrdreg $0x60  }
0xb6: {  	[dreg:$0x2] =	wrdreg s4  }
0xb7: {  	[dreg:$0x3] =	wrdreg s5  }
0xb8: {  	[dreg:$0x4] =	wrdreg s16  }
0xb9: {  	[dreg:$0x5] =	wrdreg s17  }
0xba: {  	[dreg:$0x6] =	wrdreg s18  }
0xbb: {  	[dreg:$0x7] =	wrdreg $0x9  }
0xbc: {  	_ =	task.clear_ibuf [dreg:s11], $0x8FFFF;
	_ =	strace $0x90000046  }
0xbd: {  	s29 =	simm.s32 $0x9;
	_ =	strace $0x80000048  }
0xbe: {  	_ =	swait.ge [sflag:s29], $0x1  }
0xbf: {  	[sflag:s29] =	ssyncadd.s32 $0xFFFFFFFF  }
0xc0: {  	_ =	strace $0x90000048  }
0xc1: {  	_ =	sfence  }
0xc2: {  	s30 =	sld [smem:$0x0];
	_ =	sdelay $0x2  }
0xc3: {  	s31 =	sshll.u32 s1, $0xD;
	s1 =	sshrl.u32 s1, $0x2  }
0xc4: {  	s3 =	sand.u32 $0x4000, s31;
	s1 =	sadd.s32 s1, s30  }
0xc5: {  	s0 =	sor.u32 s3, s0;
	s1 =	sshll.u32 s1, $0x11  }
0xc6: {  	s0 =	sor.u32 s1, s0  }
0xc7: {  	s0 =	sadd.s32 $0x8F2B, s0  }
0xc8: {  	[sflag:s0] =	ssyncadd.remote.s32 $0x1  }
0xc9: {  	_ =	sfence.sel $0xFFFF  }
0xca: {  	[dreg:$0x0] =	wrdreg $0xFFFFFFFF;
	(pc) =	sbr.abs _section_cstart, $3  }
0xcb: {  	[dreg:$0x1] =	wrdreg $0xFFFFFFFF  }
0xcc: {  	_ =	task.clear_ibuf [dreg:s11], $0x2FFFF;
	_ =	strace $0x9FFFFFFF  }
0xcd: {  	(tm) =	ssettm $0x7FFFFFFF  }
tec
execute0_lowered:
.L_overlay_start_1:
0x0: {  	(tag) =	ssettag $0x1  }
0x1: {  	s1 =	rddreg [dreg:$0x0]  }
0x2: {  	s0 =	srdreg.scid;
	s2 =	rddreg [dreg:$0x1]  }
0x3: {  	s6 =	stileid.u32;
	s3 =	rddreg [dreg:$0x2]  }
0x4: {  	s5 =	rddreg [dreg:$0x3];
	s4 =	sand.u32 $0x1, s0;
	s17 =	sshll.u32 s6, $0x1  }
0x5: {  	s7 =	rddreg [dreg:$0x4];
	s0 =	sor.u32 s4, s17  }
0x6: {  	s6 =	sshll.u32 s6, $0x2;
	[dreg:$0x18] =	wrdreg s4;
	s4 =	sshll.u32 s0, $0x9  }
0x7: {  	s0 =	sshll.u32 s0, $0xE;
	s6 =	sor.u32 s6, s4;
	s4 =	simm.s32 $0x0  }
0x8: {  	s18 =	sadd.s32 s5, s0;
	s19 =	sadd.s32 s7, s0;
	[smem:$0x7FF] =	sst s4  }
0x9: {  	s20 =	sor.u32 $0x800, s0;
	_ =	strace $0x80000047;
	[dreg:$0x7] =	wrdreg s18  }
0xa: {  	s21 =	sadd.s32 s5, s20;
	[dreg:$0x8] =	wrdreg s19  }
0xb: {  	s23 =	sor.u32 $0x1000, s0;
	s22 =	sadd.s32 s7, s20;
	[dreg:$0x9] =	wrdreg s21  }
0xc: {  	s24 =	sadd.s32 s5, s23;
	[dreg:$0xa] =	wrdreg s22  }
0xd: {  	s26 =	sor.u32 $0x1800, s0;
	s25 =	sadd.s32 s7, s23;
	[dreg:$0xb] =	wrdreg s24  }
0xe: {  	s9 =	sadd.s32 s5, s26;
	[dreg:$0xc] =	wrdreg s25  }
0xf: {  	s11 =	sor.u32 $0x2000, s0;
	s10 =	sadd.s32 s7, s26;
	[dreg:$0xd] =	wrdreg s9  }
0x10: {  	s12 =	sadd.s32 s5, s11;
	[dreg:$0xe] =	wrdreg s10  }
0x11: {  	s14 =	sor.u32 $0x2800, s0;
	s13 =	sadd.s32 s7, s11;
	[dreg:$0xf] =	wrdreg s12  }
0x12: {  	s17 =	sor.u32 $0x3000, s0;
	s15 =	sadd.s32 s5, s14;
	[dreg:$0x10] =	wrdreg s13  }
0x13: {  	s0 =	sor.u32 $0x3800, s0;
	s16 =	sadd.s32 s7, s14;
	[dreg:$0x11] =	wrdreg s15  }
0x14: {  	s20 =	sadd.s32 s5, s0;
	[dreg:$0x12] =	wrdreg s16  }
0x15: {  	s0 =	sadd.s32 s7, s0;
	[dreg:$0x15] =	wrdreg s20  }
0x16: {  	s18 =	sadd.s32 s5, s17;
	[dreg:$0x16] =	wrdreg s0  }
0x17: {  	s6 =	sand.u32 $0xE30, s6;
	s19 =	sadd.s32 s7, s17;
	[dreg:$0x13] =	wrdreg s18  }
0x18: {  	s8 =	sadd.s32 s3, s6;
	[dreg:$0x14] =	wrdreg s19  }
0x19: {  	s3 =	sadd.s32 $0x40, s8;
	[dreg:$0x17] =	wrdreg s8  }
0x1a: {  	[tilespmem:s4], [sflag:$0x10] =	stream.linear.gather [hbm4b:s8+s4], $0x80, $0x38;
	[tilespmem:$0x1C400] =	vst v63  }
0x1b: {  	s6 =	simm.s32 $0x10;
	[dreg:$0x6] =	wrdreg s3  }
0x1c: {  	_ =	swait.ge [sflag:s6], $0x80  }
0x1d: {  	s7 =	simm.s32 $0x200;
	[sflag:s6] =	ssyncset.done $0x0  }
0x1e: {  	s8 =	simm.s32 $0x80;
	s21 =	rddreg [dreg:$0x6];
	[sflag:s6] =	ssyncadd.s32 $0xFFFFFF80  }
0x1f: {  	[tilespmem:s8], [sflag:$0xF] =	stream.strided.gather [hbm4b:s21+s8], $0x380, s7, s8, $0x38;
	[tilespmem:$0x1C400] =	vst v63  }
0x20: {  	s9 =	simm.s32 $0x400  }
0x21: {  	[tilespmem:s9], [sflag:$0x1] =	stream.indirect.gather [hbm4b:s1+s8], $0x80, s4, s8, $0xb8;
	[tilespmem:$0x1C400] =	vst v63  }
0x22: {  	s11 =	simm.s32 $0xF;
	s10 =	simm.s32 $0x4400  }
0x23: {  	[tilespmem:s10], [sflag:$0x2] =	stream.indirect.gather [hbm4b:s2+s8], $0x80, s4, s8, $0xb8;
	[tilespmem:$0x1C400] =	vst v63  }
0x24: {  	_ =	swait.ge [sflag:s11], $0x380  }
0x25: {  	[sflag:s11] =	ssyncset.done $0x0  }
0x26: {  	s12 =	simm.s32 $0x8400;
	[sflag:s11] =	ssyncadd.s32 $0xFFFFFC80  }
0x27: {  	[tilespmem:s12], [sflag:$0x3] =	stream.indirect.gather [hbm4b:s1+s8], $0x80, s8, s8, $0xb8;
	[tilespmem:$0x1C400] =	vst v63  }
0x28: {  	s13 =	simm.s32 $0xC400  }
0x29: {  	[tilespmem:s13], [sflag:$0x4] =	stream.indirect.gather [hbm4b:s2+s8], $0x80, s8, s8, $0xb8;
	[tilespmem:$0x1C400] =	vst v63  }
0x2a: {  	s22 =	simm.s32 $0x100;
	s15 =	simm.s32 $0x10400;
	s16 =	simm.s32 $0x1  }
0x2b: {  	[tilespmem:s15], [sflag:$0x5] =	stream.indirect.gather [hbm4b:s1+s8], $0x80, s22, s8, $0xb8;
	[tilespmem:$0x1C400] =	vst v63  }
0x2c: {  	_ =	swait.ge [sflag:s16], $0x4000  }
0x2d: {  	[sflag:s16] =	ssyncset.done $0x0  }
0x2e: {  	s23 =	rddreg [dreg:$0x7];
	[sflag:s16] =	ssyncadd.s32 $0xFFFFC000  }
0x2f: {  	[hbm4b:s23+s4] =	stream.linear.scatter [tilespmem:s9], [sflag:$0x8], $0x4000, $0x38;
	[tilespmem:$0x1C400] =	vst v63  }
0x30: {  	s17 =	simm.s32 $0x14400;
	s18 =	simm.s32 $0x2  }
0x31: {  	[tilespmem:s17], [sflag:$0x6] =	stream.indirect.gather [hbm4b:s2+s8], $0x80, s22, s8, $0xb8;
	[tilespmem:$0x1C400] =	vst v63  }
0x32: {  	_ =	swait.ge [sflag:s18], $0x4000  }
0x33: {  	[sflag:s18] =	ssyncset.done $0x0  }
0x34: {  	s24 =	rddreg [dreg:$0x8];
	[sflag:s18] =	ssyncadd.s32 $0xFFFFC000  }
0x35: {  	[hbm4b:s24+s4] =	stream.linear.scatter [tilespmem:s10], [sflag:$0x9], $0x4000, $0x38;
	[tilespmem:$0x1C400] =	vst v63  }
0x36: {  	s25 =	simm.s32 $0x180;
	s20 =	simm.s32 $0x18400;
	s21 =	simm.s32 $0x3  }
0x37: {  	[tilespmem:s20], [sflag:$0x7] =	stream.indirect.gather [hbm4b:s1+s8], $0x80, s25, s8, $0xb8;
	[tilespmem:$0x1C400] =	vst v63  }
0x38: {  	_ =	swait.ge [sflag:s21], $0x4000  }
0x39: {  	[sflag:s21] =	ssyncset.done $0x0  }
0x3a: {  	s22 =	simm.s32 $0x8;
	s26 =	rddreg [dreg:$0x9];
	[sflag:s21] =	ssyncadd.s32 $0xFFFFC000  }
0x3b: {  	[hbm4b:s26+s4] =	stream.linear.scatter [tilespmem:s12], [sflag:$0xA], $0x4000, $0x38;
	[tilespmem:$0x1C400] =	vst v63  }
0x3c: {  	_ =	swait.ge [sflag:s22], $0x4000  }
0x3d: {  	[sflag:s22] =	ssyncset.done $0x0  }
0x3e: {  	s23 =	simm.s32 $0x4;
	[sflag:s22] =	ssyncadd.s32 $0xFFFFC000  }
0x3f: {  	[tilespmem:s9], [sflag:$0x1] =	stream.indirect.gather [hbm4b:s2+s8], $0x80, s25, s8, $0xb8;
	[tilespmem:$0x1C400] =	vst v63  }
0x40: {  	_ =	swait.ge [sflag:s23], $0x4000  }
0x41: {  	[sflag:s23] =	ssyncset.done $0x0  }
0x42: {  	s24 =	simm.s32 $0x9;
	s3 =	rddreg [dreg:$0xa];
	[sflag:s23] =	ssyncadd.s32 $0xFFFFC000  }
0x43: {  	[hbm4b:s3+s4] =	stream.linear.scatter [tilespmem:s13], [sflag:$0xB], $0x4000, $0x38;
	[tilespmem:$0x1C400] =	vst v63  }
0x44: {  	_ =	swait.ge [sflag:s24], $0x4000  }
0x45: {  	[sflag:s24] =	ssyncset.done $0x0  }
0x46: {  	s25 =	simm.s32 $0x5;
	[sflag:s24] =	ssyncadd.s32 $0xFFFFC000  }
0x47: {  	[tilespmem:s10], [sflag:$0x2] =	stream.indirect.gather [hbm4b:s1+s8], $0x80, s7, s8, $0xb8;
	[tilespmem:$0x1C400] =	vst v63  }
0x48: {  	_ =	swait.ge [sflag:s25], $0x4000  }
0x49: {  	[sflag:s25] =	ssyncset.done $0x0  }
0x4a: {  	s26 =	simm.s32 $0xA;
	s5 =	rddreg [dreg:$0xb];
	[sflag:s25] =	ssyncadd.s32 $0xFFFFC000  }
0x4b: {  	[hbm4b:s5+s4] =	stream.linear.scatter [tilespmem:s15], [sflag:$0xC], $0x4000, $0x38;
	[tilespmem:$0x1C400] =	vst v63  }
0x4c: {  	_ =	swait.ge [sflag:s26], $0x4000  }
0x4d: {  	[sflag:s26] =	ssyncset.done $0x0  }
0x4e: {  	s28 =	simm.s32 $0x6;
	[sflag:s26] =	ssyncadd.s32 $0xFFFFC000  }
0x4f: {  	[tilespmem:s12], [sflag:$0x3] =	stream.indirect.gather [hbm4b:s2+s8], $0x80, s7, s8, $0xb8;
	[tilespmem:$0x1C400] =	vst v63  }
0x50: {  	_ =	swait.ge [sflag:s28], $0x4000  }
0x51: {  	[sflag:s28] =	ssyncset.done $0x0  }
0x52: {  	s29 =	simm.s32 $0xB;
	s14 =	rddreg [dreg:$0xc];
	[sflag:s28] =	ssyncadd.s32 $0xFFFFC000  }
0x53: {  	[hbm4b:s14+s4] =	stream.linear.scatter [tilespmem:s17], [sflag:$0xD], $0x4000, $0x38;
	[tilespmem:$0x1C400] =	vst v63  }
0x54: {  	_ =	swait.ge [sflag:s29], $0x4000  }
0x55: {  	[sflag:s29] =	ssyncset.done $0x0  }
0x56: {  	s31 =	simm.s32 $0x7;
	s19 =	simm.s32 $0x280;
	[sflag:s29] =	ssyncadd.s32 $0xFFFFC000  }
0x57: {  	[tilespmem:s13], [sflag:$0x4] =	stream.indirect.gather [hbm4b:s1+s8], $0x80, s19, s8, $0xb8;
	[tilespmem:$0x1C400] =	vst v63  }
0x58: {  	_ =	swait.ge [sflag:s31], $0x4000  }
0x59: {  	[sflag:s31] =	ssyncset.done $0x0  }
0x5a: {  	s3 =	rddreg [dreg:$0xd];
	[sflag:s31] =	ssyncadd.s32 $0xFFFFC000  }
0x5b: {  	[hbm4b:s3+s4] =	stream.linear.scatter [tilespmem:s20], [sflag:$0xE], $0x4000, $0x38;
	[tilespmem:$0x1C400] =	vst v63  }
0x5c: {  	s3 =	simm.s32 $0xC  }
0x5d: {  	_ =	swait.ge [sflag:s3], $0x4000  }
0x5e: {  	[sflag:s3] =	ssyncset.done $0x0  }
0x5f: {  	[sflag:s3] =	ssyncadd.s32 $0xFFFFC000  }
0x60: {  	[tilespmem:s15], [sflag:$0x5] =	stream.indirect.gather [hbm4b:s2+s8], $0x80, s19, s8, $0xb8;
	[tilespmem:$0x1C400] =	vst v63  }
0x61: {  	_ =	swait.ge [sflag:s16], $0x4000  }
0x62: {  	[sflag:s16] =	ssyncset.done $0x0  }
0x63: {  	s0 =	simm.s32 $0xD;
	s14 =	rddreg [dreg:$0xe];
	[sflag:s16] =	ssyncadd.s32 $0xFFFFC000  }
0x64: {  	[hbm4b:s14+s4] =	stream.linear.scatter [tilespmem:s9], [sflag:$0x8], $0x4000, $0x38;
	[tilespmem:$0x1C400] =	vst v63  }
0x65: {  	_ =	swait.ge [sflag:s0], $0x4000  }
0x66: {  	[sflag:s0] =	ssyncset.done $0x0  }
0x67: {  	s19 =	simm.s32 $0x300;
	[sflag:s0] =	ssyncadd.s32 $0xFFFFC000  }
0x68: {  	[tilespmem:s17], [sflag:$0x6] =	stream.indirect.gather [hbm4b:s1+s8], $0x80, s19, s8, $0xb8;
	[tilespmem:$0x1C400] =	vst v63  }
0x69: {  	_ =	swait.ge [sflag:s18], $0x4000  }
0x6a: {  	[sflag:s18] =	ssyncset.done $0x0  }
0x6b: {  	s14 =	rddreg [dreg:$0xf];
	[sflag:s18] =	ssyncadd.s32 $0xFFFFC000  }
0x6c: {  	[hbm4b:s14+s4] =	stream.linear.scatter [tilespmem:s10], [sflag:$0x9], $0x4000, $0x38;
	[tilespmem:$0x1C400] =	vst v63  }
0x6d: {  	s14 =	simm.s32 $0xE  }
0x6e: {  	_ =	swait.ge [sflag:s14], $0x4000  }
0x6f: {  	[sflag:s14] =	ssyncset.done $0x0  }
0x70: {  	[sflag:s14] =	ssyncadd.s32 $0xFFFFC000  }
0x71: {  	[tilespmem:s20], [sflag:$0x7] =	stream.indirect.gather [hbm4b:s2+s8], $0x80, s19, s8, $0xb8;
	[tilespmem:$0x1C400] =	vst v63  }
0x72: {  	_ =	swait.ge [sflag:s21], $0x4000  }
0x73: {  	[sflag:s21] =	ssyncset.done $0x0  }
0x74: {  	s19 =	rddreg [dreg:$0x10];
	[sflag:s21] =	ssyncadd.s32 $0xFFFFC000  }
0x75: {  	[hbm4b:s19+s4] =	stream.linear.scatter [tilespmem:s12], [sflag:$0xA], $0x4000, $0x38;
	[tilespmem:$0x1C400] =	vst v63  }
0x76: {  	_ =	swait.ge [sflag:s22], $0x4000  }
0x77: {  	[sflag:s22] =	ssyncset.done $0x0  }
0x78: {  	s19 =	simm.s32 $0x380;
	[sflag:s22] =	ssyncadd.s32 $0xFFFFC000  }
0x79: {  	[tilespmem:s9], [sflag:$0x1] =	stream.indirect.gather [hbm4b:s1+s8], $0x80, s19, s8, $0xb8;
	[tilespmem:$0x1C400] =	vst v63  }
0x7a: {  	_ =	swait.ge [sflag:s23], $0x4000  }
0x7b: {  	[sflag:s23] =	ssyncset.done $0x0  }
0x7c: {  	s30 =	rddreg [dreg:$0x11];
	[sflag:s23] =	ssyncadd.s32 $0xFFFFC000  }
0x7d: {  	[hbm4b:s30+s4] =	stream.linear.scatter [tilespmem:s13], [sflag:$0xB], $0x4000, $0x38;
	[tilespmem:$0x1C400] =	vst v63  }
0x7e: {  	_ =	swait.ge [sflag:s24], $0x4000  }
0x7f: {  	[sflag:s24] =	ssyncset.done $0x0  }
0x80: {  	[sflag:s24] =	ssyncadd.s32 $0xFFFFC000  }
0x81: {  	[tilespmem:s10], [sflag:$0x2] =	stream.indirect.gather [hbm4b:s2+s8], $0x80, s19, s8, $0xb8;
	[tilespmem:$0x1C400] =	vst v63  }
0x82: {  	_ =	swait.ge [sflag:s25], $0x4000  }
0x83: {  	[sflag:s25] =	ssyncset.done $0x0  }
0x84: {  	s30 =	rddreg [dreg:$0x12];
	[sflag:s25] =	ssyncadd.s32 $0xFFFFC000  }
0x85: {  	[hbm4b:s30+s4] =	stream.linear.scatter [tilespmem:s15], [sflag:$0xC], $0x4000, $0x38;
	[tilespmem:$0x1C400] =	vst v63  }
0x86: {  	_ =	swait.ge [sflag:s28], $0x4000  }
0x87: {  	[sflag:s28] =	ssyncset.done $0x0  }
0x88: {  	s30 =	rddreg [dreg:$0x13];
	[sflag:s28] =	ssyncadd.s32 $0xFFFFC000  }
0x89: {  	[hbm4b:s30+s4] =	stream.linear.scatter [tilespmem:s17], [sflag:$0xD], $0x4000, $0x38;
	[tilespmem:$0x1C400] =	vst v63  }
0x8a: {  	_ =	swait.ge [sflag:s31], $0x4000  }
0x8b: {  	[sflag:s31] =	ssyncset.done $0x0  }
0x8c: {  	s30 =	rddreg [dreg:$0x14];
	[sflag:s31] =	ssyncadd.s32 $0xFFFFC000  }
0x8d: {  	[hbm4b:s30+s4] =	stream.linear.scatter [tilespmem:s20], [sflag:$0xE], $0x4000, $0x38;
	[tilespmem:$0x1C400] =	vst v63  }
0x8e: {  	_ =	swait.ge [sflag:s16], $0x4000  }
0x8f: {  	[sflag:s16] =	ssyncset.done $0x0  }
0x90: {  	s30 =	rddreg [dreg:$0x15];
	[sflag:s16] =	ssyncadd.s32 $0xFFFFC000  }
0x91: {  	[hbm4b:s30+s4] =	stream.linear.scatter [tilespmem:s9], [sflag:$0x8], $0x4000, $0x38;
	[tilespmem:$0x1C400] =	vst v63  }
0x92: {  	_ =	swait.ge [sflag:s18], $0x4000  }
0x93: {  	[sflag:s18] =	ssyncset.done $0x0  }
0x94: {  	s30 =	rddreg [dreg:$0x16];
	[sflag:s18] =	ssyncadd.s32 $0xFFFFC000  }
0x95: {  	[hbm4b:s30+s4] =	stream.linear.scatter [tilespmem:s10], [sflag:$0x9], $0x4000, $0x38;
	[tilespmem:$0x1C400] =	vst v63  }
0x96: {  	_ =	swait.ge [sflag:s22], $0x4000  }
0x97: {  	[sflag:s22] =	ssyncset.done $0x0  }
0x98: {  	[sflag:s22] =	ssyncadd.s32 $0xFFFFC000  }
0x99: {  	_ =	swait.ge [sflag:s24], $0x4000  }
0x9a: {  	[sflag:s24] =	ssyncset.done $0x0  }
0x9b: {  	[sflag:s24] =	ssyncadd.s32 $0xFFFFC000  }
0x9c: {  	_ =	swait.ge [sflag:s26], $0x4000  }
0x9d: {  	[sflag:s26] =	ssyncset.done $0x0  }
0x9e: {  	[sflag:s26] =	ssyncadd.s32 $0xFFFFC000  }
0x9f: {  	_ =	swait.ge [sflag:s29], $0x4000  }
0xa0: {  	[sflag:s29] =	ssyncset.done $0x0  }
0xa1: {  	[sflag:s29] =	ssyncadd.s32 $0xFFFFC000  }
0xa2: {  	_ =	swait.ge [sflag:s3], $0x4000  }
0xa3: {  	s19 =	rddreg [dreg:$0x18]  }
0xa4: {  	s5 =	ssub.s32 $0x2, s19  }
0xa5: {  	s30 =	sshrl.u32 s5, $0x1  }
0xa6: {  	s30 =	ssub.s32 s5, s30  }
0xa7: {  	[sflag:s3] =	ssyncset.done $0x0;
	s30 =	smax.u32 s30, $0x1  }
0xa8: {  	[sflag:s3] =	ssyncadd.s32 $0xFFFFC000;
	p0 =	sne.s32 s30, $0x1  }
.Ltmp0:
0xa9: {  	_ =	swait.ge [sflag:s0], $0x4000;
	(pc) =	sbr.rel @!p0 .LBB2_2-.Ltmp0, $4  }
0xaa: {  	[sflag:s0] =	ssyncset.done $0x0  }
0xab: {  	[sflag:s0] =	ssyncadd.s32 $0xFFFFC000  }
0xac: {  	_ =	swait.ge [sflag:s14], $0x4000  }
0xad: {  	s30 =	sadd.s32 $0xFFFFFFFF, s30;
	[sflag:s14] =	ssyncset.done $0x0  }
.LBB2_1:
0xae: {  	[sflag:s14] =	ssyncadd.s32 $0xFFFFC000;
	s5 =	rddreg [dreg:$0x17]  }
0xaf: {  	[tilespmem:s4], [sflag:$0x10] =	stream.linear.gather [hbm4b:s5+s4], $0x80, $0x38;
	[tilespmem:$0x1C400] =	vst v63  }
0xb0: {  	_ =	swait.ge [sflag:s6], $0x80  }
0xb1: {  	[sflag:s6] =	ssyncset.done $0x0  }
0xb2: {  	s19 =	rddreg [dreg:$0x6];
	[sflag:s6] =	ssyncadd.s32 $0xFFFFFF80  }
0xb3: {  	[tilespmem:s8], [sflag:$0xF] =	stream.strided.gather [hbm4b:s19+s8], $0x380, s7, s8, $0x38;
	[tilespmem:$0x1C400] =	vst v63  }
0xb4: {  	_ = 	snop  }
0xb5: {  	[tilespmem:s9], [sflag:$0x1] =	stream.indirect.gather [hbm4b:s1+s8], $0x80, s4, s8, $0xb8;
	[tilespmem:$0x1C400] =	vst v63  }
0xb6: {  	_ = 	snop  }
0xb7: {  	[tilespmem:s10], [sflag:$0x2] =	stream.indirect.gather [hbm4b:s2+s8], $0x80, s4, s8, $0xb8;
	[tilespmem:$0x1C400] =	vst v63  }
0xb8: {  	_ =	swait.ge [sflag:s11], $0x380  }
0xb9: {  	[sflag:s11] =	ssyncset.done $0x0  }
0xba: {  	[sflag:s11] =	ssyncadd.s32 $0xFFFFFC80  }
0xbb: {  	[tilespmem:s12], [sflag:$0x3] =	stream.indirect.gather [hbm4b:s1+s8], $0x80, s8, s8, $0xb8;
	[tilespmem:$0x1C400] =	vst v63  }
0xbc: {  	_ = 	snop  }
0xbd: {  	[tilespmem:s13], [sflag:$0x4] =	stream.indirect.gather [hbm4b:s2+s8], $0x80, s8, s8, $0xb8;
	[tilespmem:$0x1C400] =	vst v63  }
0xbe: {  	s19 =	simm.s32 $0x100  }
0xbf: {  	[tilespmem:s15], [sflag:$0x5] =	stream.indirect.gather [hbm4b:s1+s8], $0x80, s19, s8, $0xb8;
	[tilespmem:$0x1C400] =	vst v63  }
0xc0: {  	_ =	swait.ge [sflag:s16], $0x4000  }
0xc1: {  	[sflag:s16] =	ssyncset.done $0x0  }
0xc2: {  	s5 =	rddreg [dreg:$0x7];
	[sflag:s16] =	ssyncadd.s32 $0xFFFFC000  }
0xc3: {  	[hbm4b:s5+s4] =	stream.linear.scatter [tilespmem:s9], [sflag:$0x8], $0x4000, $0x38;
	[tilespmem:$0x1C400] =	vst v63  }
0xc4: {  	_ = 	snop  }
0xc5: {  	[tilespmem:s17], [sflag:$0x6] =	stream.indirect.gather [hbm4b:s2+s8], $0x80, s19, s8, $0xb8;
	[tilespmem:$0x1C400] =	vst v63  }
0xc6: {  	_ =	swait.ge [sflag:s18], $0x4000  }
0xc7: {  	[sflag:s18] =	ssyncset.done $0x0  }
0xc8: {  	s19 =	rddreg [dreg:$0x8];
	[sflag:s18] =	ssyncadd.s32 $0xFFFFC000  }
0xc9: {  	[hbm4b:s19+s4] =	stream.linear.scatter [tilespmem:s10], [sflag:$0x9], $0x4000, $0x38;
	[tilespmem:$0x1C400] =	vst v63  }
0xca: {  	s19 =	simm.s32 $0x180  }
0xcb: {  	[tilespmem:s20], [sflag:$0x7] =	stream.indirect.gather [hbm4b:s1+s8], $0x80, s19, s8, $0xb8;
	[tilespmem:$0x1C400] =	vst v63  }
0xcc: {  	_ =	swait.ge [sflag:s21], $0x4000  }
0xcd: {  	[sflag:s21] =	ssyncset.done $0x0  }
0xce: {  	s5 =	rddreg [dreg:$0x9];
	[sflag:s21] =	ssyncadd.s32 $0xFFFFC000  }
0xcf: {  	[hbm4b:s5+s4] =	stream.linear.scatter [tilespmem:s12], [sflag:$0xA], $0x4000, $0x38;
	[tilespmem:$0x1C400] =	vst v63  }
0xd0: {  	_ =	swait.ge [sflag:s22], $0x4000  }
0xd1: {  	[sflag:s22] =	ssyncset.done $0x0  }
0xd2: {  	[sflag:s22] =	ssyncadd.s32 $0xFFFFC000  }
0xd3: {  	[tilespmem:s9], [sflag:$0x1] =	stream.indirect.gather [hbm4b:s2+s8], $0x80, s19, s8, $0xb8;
	[tilespmem:$0x1C400] =	vst v63  }
0xd4: {  	_ =	swait.ge [sflag:s23], $0x4000  }
0xd5: {  	[sflag:s23] =	ssyncset.done $0x0  }
0xd6: {  	s19 =	rddreg [dreg:$0xa];
	[sflag:s23] =	ssyncadd.s32 $0xFFFFC000  }
0xd7: {  	[hbm4b:s19+s4] =	stream.linear.scatter [tilespmem:s13], [sflag:$0xB], $0x4000, $0x38;
	[tilespmem:$0x1C400] =	vst v63  }
0xd8: {  	_ =	swait.ge [sflag:s24], $0x4000  }
0xd9: {  	[sflag:s24] =	ssyncset.done $0x0  }
0xda: {  	[sflag:s24] =	ssyncadd.s32 $0xFFFFC000  }
0xdb: {  	[tilespmem:s10], [sflag:$0x2] =	stream.indirect.gather [hbm4b:s1+s8], $0x80, s7, s8, $0xb8;
	[tilespmem:$0x1C400] =	vst v63  }
0xdc: {  	_ =	swait.ge [sflag:s25], $0x4000  }
0xdd: {  	[sflag:s25] =	ssyncset.done $0x0  }
0xde: {  	s19 =	rddreg [dreg:$0xb];
	[sflag:s25] =	ssyncadd.s32 $0xFFFFC000  }
0xdf: {  	[hbm4b:s19+s4] =	stream.linear.scatter [tilespmem:s15], [sflag:$0xC], $0x4000, $0x38;
	[tilespmem:$0x1C400] =	vst v63  }
0xe0: {  	_ =	swait.ge [sflag:s26], $0x4000  }
0xe1: {  	[sflag:s26] =	ssyncset.done $0x0  }
0xe2: {  	[sflag:s26] =	ssyncadd.s32 $0xFFFFC000  }
0xe3: {  	[tilespmem:s12], [sflag:$0x3] =	stream.indirect.gather [hbm4b:s2+s8], $0x80, s7, s8, $0xb8;
	[tilespmem:$0x1C400] =	vst v63  }
0xe4: {  	_ =	swait.ge [sflag:s28], $0x4000  }
0xe5: {  	[sflag:s28] =	ssyncset.done $0x0  }
0xe6: {  	s19 =	rddreg [dreg:$0xc];
	[sflag:s28] =	ssyncadd.s32 $0xFFFFC000  }
0xe7: {  	[hbm4b:s19+s4] =	stream.linear.scatter [tilespmem:s17], [sflag:$0xD], $0x4000, $0x38;
	[tilespmem:$0x1C400] =	vst v63  }
0xe8: {  	_ =	swait.ge [sflag:s29], $0x4000  }
0xe9: {  	[sflag:s29] =	ssyncset.done $0x0  }
0xea: {  	s19 =	simm.s32 $0x280;
	[sflag:s29] =	ssyncadd.s32 $0xFFFFC000  }
0xeb: {  	[tilespmem:s13], [sflag:$0x4] =	stream.indirect.gather [hbm4b:s1+s8], $0x80, s19, s8, $0xb8;
	[tilespmem:$0x1C400] =	vst v63  }
0xec: {  	_ =	swait.ge [sflag:s31], $0x4000  }
0xed: {  	[sflag:s31] =	ssyncset.done $0x0  }
0xee: {  	s5 =	rddreg [dreg:$0xd];
	[sflag:s31] =	ssyncadd.s32 $0xFFFFC000  }
0xef: {  	[hbm4b:s5+s4] =	stream.linear.scatter [tilespmem:s20], [sflag:$0xE], $0x4000, $0x38;
	[tilespmem:$0x1C400] =	vst v63  }
0xf0: {  	_ =	swait.ge [sflag:s3], $0x4000  }
0xf1: {  	[sflag:s3] =	ssyncset.done $0x0  }
0xf2: {  	[sflag:s3] =	ssyncadd.s32 $0xFFFFC000  }
0xf3: {  	[tilespmem:s15], [sflag:$0x5] =	stream.indirect.gather [hbm4b:s2+s8], $0x80, s19, s8, $0xb8;
	[tilespmem:$0x1C400] =	vst v63  }
0xf4: {  	_ =	swait.ge [sflag:s16], $0x4000  }
0xf5: {  	[sflag:s16] =	ssyncset.done $0x0  }
0xf6: {  	s19 =	rddreg [dreg:$0xe];
	[sflag:s16] =	ssyncadd.s32 $0xFFFFC000  }
0xf7: {  	[hbm4b:s19+s4] =	stream.linear.scatter [tilespmem:s9], [sflag:$0x8], $0x4000, $0x38;
	[tilespmem:$0x1C400] =	vst v63  }
0xf8: {  	_ =	swait.ge [sflag:s0], $0x4000  }
0xf9: {  	[sflag:s0] =	ssyncset.done $0x0  }
0xfa: {  	s19 =	simm.s32 $0x300;
	[sflag:s0] =	ssyncadd.s32 $0xFFFFC000  }
0xfb: {  	[tilespmem:s17], [sflag:$0x6] =	stream.indirect.gather [hbm4b:s1+s8], $0x80, s19, s8, $0xb8;
	[tilespmem:$0x1C400] =	vst v63  }
0xfc: {  	_ =	swait.ge [sflag:s18], $0x4000  }
0xfd: {  	[sflag:s18] =	ssyncset.done $0x0  }
0xfe: {  	s5 =	rddreg [dreg:$0xf];
	[sflag:s18] =	ssyncadd.s32 $0xFFFFC000  }
0xff: {  	[hbm4b:s5+s4] =	stream.linear.scatter [tilespmem:s10], [sflag:$0x9], $0x4000, $0x38;
	[tilespmem:$0x1C400] =	vst v63  }
0x100: {  	_ =	swait.ge [sflag:s14], $0x4000  }
0x101: {  	[sflag:s14] =	ssyncset.done $0x0  }
0x102: {  	[sflag:s14] =	ssyncadd.s32 $0xFFFFC000  }
0x103: {  	[tilespmem:s20], [sflag:$0x7] =	stream.indirect.gather [hbm4b:s2+s8], $0x80, s19, s8, $0xb8;
	[tilespmem:$0x1C400] =	vst v63  }
0x104: {  	_ =	swait.ge [sflag:s21], $0x4000  }
0x105: {  	[sflag:s21] =	ssyncset.done $0x0  }
0x106: {  	s19 =	rddreg [dreg:$0x10];
	[sflag:s21] =	ssyncadd.s32 $0xFFFFC000  }
0x107: {  	[hbm4b:s19+s4] =	stream.linear.scatter [tilespmem:s12], [sflag:$0xA], $0x4000, $0x38;
	[tilespmem:$0x1C400] =	vst v63  }
0x108: {  	_ =	swait.ge [sflag:s22], $0x4000  }
0x109: {  	[sflag:s22] =	ssyncset.done $0x0  }
0x10a: {  	s19 =	simm.s32 $0x380;
	[sflag:s22] =	ssyncadd.s32 $0xFFFFC000  }
0x10b: {  	[tilespmem:s9], [sflag:$0x1] =	stream.indirect.gather [hbm4b:s1+s8], $0x80, s19, s8, $0xb8;
	[tilespmem:$0x1C400] =	vst v63  }
0x10c: {  	_ =	swait.ge [sflag:s23], $0x4000  }
0x10d: {  	[sflag:s23] =	ssyncset.done $0x0  }
0x10e: {  	s5 =	rddreg [dreg:$0x11];
	[sflag:s23] =	ssyncadd.s32 $0xFFFFC000  }
0x10f: {  	[hbm4b:s5+s4] =	stream.linear.scatter [tilespmem:s13], [sflag:$0xB], $0x4000, $0x38;
	[tilespmem:$0x1C400] =	vst v63  }
0x110: {  	_ =	swait.ge [sflag:s24], $0x4000  }
0x111: {  	[sflag:s24] =	ssyncset.done $0x0  }
0x112: {  	[sflag:s24] =	ssyncadd.s32 $0xFFFFC000  }
0x113: {  	[tilespmem:s10], [sflag:$0x2] =	stream.indirect.gather [hbm4b:s2+s8], $0x80, s19, s8, $0xb8;
	[tilespmem:$0x1C400] =	vst v63  }
0x114: {  	_ =	swait.ge [sflag:s25], $0x4000  }
0x115: {  	[sflag:s25] =	ssyncset.done $0x0  }
0x116: {  	s19 =	rddreg [dreg:$0x12];
	[sflag:s25] =	ssyncadd.s32 $0xFFFFC000  }
0x117: {  	[hbm4b:s19+s4] =	stream.linear.scatter [tilespmem:s15], [sflag:$0xC], $0x4000, $0x38;
	[tilespmem:$0x1C400] =	vst v63  }
0x118: {  	_ =	swait.ge [sflag:s28], $0x4000  }
0x119: {  	[sflag:s28] =	ssyncset.done $0x0  }
0x11a: {  	s19 =	rddreg [dreg:$0x13];
	[sflag:s28] =	ssyncadd.s32 $0xFFFFC000  }
0x11b: {  	[hbm4b:s19+s4] =	stream.linear.scatter [tilespmem:s17], [sflag:$0xD], $0x4000, $0x38;
	[tilespmem:$0x1C400] =	vst v63  }
0x11c: {  	_ =	swait.ge [sflag:s31], $0x4000  }
0x11d: {  	[sflag:s31] =	ssyncset.done $0x0  }
0x11e: {  	s19 =	rddreg [dreg:$0x14];
	[sflag:s31] =	ssyncadd.s32 $0xFFFFC000  }
0x11f: {  	[hbm4b:s19+s4] =	stream.linear.scatter [tilespmem:s20], [sflag:$0xE], $0x4000, $0x38;
	[tilespmem:$0x1C400] =	vst v63  }
0x120: {  	_ =	swait.ge [sflag:s16], $0x4000  }
0x121: {  	[sflag:s16] =	ssyncset.done $0x0  }
0x122: {  	s19 =	rddreg [dreg:$0x15];
	[sflag:s16] =	ssyncadd.s32 $0xFFFFC000  }
0x123: {  	[hbm4b:s19+s4] =	stream.linear.scatter [tilespmem:s9], [sflag:$0x8], $0x4000, $0x38;
	[tilespmem:$0x1C400] =	vst v63  }
0x124: {  	_ =	swait.ge [sflag:s18], $0x4000  }
0x125: {  	[sflag:s18] =	ssyncset.done $0x0  }
0x126: {  	s19 =	rddreg [dreg:$0x16];
	[sflag:s18] =	ssyncadd.s32 $0xFFFFC000  }
0x127: {  	[hbm4b:s19+s4] =	stream.linear.scatter [tilespmem:s10], [sflag:$0x9], $0x4000, $0x38;
	[tilespmem:$0x1C400] =	vst v63  }
0x128: {  	_ =	swait.ge [sflag:s22], $0x4000  }
0x129: {  	[sflag:s22] =	ssyncset.done $0x0  }
0x12a: {  	[sflag:s22] =	ssyncadd.s32 $0xFFFFC000  }
0x12b: {  	_ =	swait.ge [sflag:s24], $0x4000  }
0x12c: {  	[sflag:s24] =	ssyncset.done $0x0  }
0x12d: {  	[sflag:s24] =	ssyncadd.s32 $0xFFFFC000  }
0x12e: {  	_ =	swait.ge [sflag:s26], $0x4000  }
0x12f: {  	[sflag:s26] =	ssyncset.done $0x0  }
0x130: {  	[sflag:s26] =	ssyncadd.s32 $0xFFFFC000  }
0x131: {  	_ =	swait.ge [sflag:s29], $0x4000  }
0x132: {  	[sflag:s29] =	ssyncset.done $0x0  }
0x133: {  	[sflag:s29] =	ssyncadd.s32 $0xFFFFC000  }
0x134: {  	_ =	swait.ge [sflag:s3], $0x4000  }
0x135: {  	[sflag:s3] =	ssyncset.done $0x0  }
0x136: {  	p0 =	sne.s32 s30, $0x1;
	[sflag:s3] =	ssyncadd.s32 $0xFFFFC000  }
.Ltmp1:
0x137: {  	_ =	swait.ge [sflag:s0], $0x4000;
	(pc) =	sbr.rel @p0 .LBB2_1-.Ltmp1, $4  }
0x138: {  	[sflag:s0] =	ssyncset.done $0x0  }
0x139: {  	[sflag:s0] =	ssyncadd.s32 $0xFFFFC000  }
0x13a: {  	_ =	swait.ge [sflag:s14], $0x4000  }
0x13b: {  	s30 =	sadd.s32 $0xFFFFFFFF, s30;
	[sflag:s14] =	ssyncset.done $0x0  }
.LBB2_2:
0x13c: {  	[sflag:s14] =	ssyncadd.s32 $0xFFFFC000  }
0x13d: {  	_ =	sfence.sel $0x180000  }
0x13e: {  	[bflag:$0x0] =	sbarrier.arrive $0xFFFF  }
0x13f: {  	_ =	strace $0x90000047  }
0x140: {  	s0 =	stileid.u32;
	[bflag:$0x2] =	sbarrier.arrive $0xFFFF  }
0x141: {  	p0 =	sne.s32 s0, $0x0;
	s0 =	rddreg [dreg:$0x5]  }
0x142: {  	s0 =	sadd.s32 @!p0 $0x100000, s0  }
0x143: {  	[sflag:s0] =	ssyncadd.tile.s32 @!p0 $0x1;
	_ =	shalt  }
.Lfunc_end2:
_tile_overlayer_lowered:
.L_overlay_start_2:
0x144: {  	(tag) =	ssettag $0x2  }
0x145: {  	s0 =	rddreg [dreg:$0x0];
	s2 =	stileid.u32  }
0x146: {  	s1 =	rddreg [dreg:$0x1];
	p0 =	sne.s32 s2, $0x0  }
0x147: {  	s3 =	rddreg [dreg:$0x2];
	[bflag:$0x3] =	sbarrier.arrive $0xFFFF;
	s2 =	simm.s32 @!p0 $0x1C10  }
0x148: {  	[timem:s3], [sflag:s2] =	dma.local @!p0 [hbm:s0], s1  }
0x149: {  	s0 =	simm.s32 @!p0 $0x10  }
0x14a: {  	_ =	swait.ge @!p0 [sflag:s0], s1  }
0x14b: {  	s1 =	ssub.s32 @!p0 $0x0, s1;
	[sflag:s0] =	ssyncset.done @!p0 $0x0  }
0x14c: {  	[sflag:s0] =	ssyncadd.s32 @!p0 s1  }
0x14d: {  	[bflag:$0x3] =	sbarrier.arrive $0xFFFF  }
0x14e: {  	_ =	shalt  }

</sc_bundles>
